<compile_context>
chip_gen: v7x
topology: tpu7x:2x2x1
jax: 0.10.2.dev20260603
libtpu: 0.0.44.dev20260713+nightly
codegen_flags: <defaults>
</compile_context>

<pallas_src>
import functools

import jax
import jax.numpy as jnp
from jax import lax
from jax.experimental import pallas as pl
from jax.experimental.pallas import tpu as pltpu
from jax.experimental.pallas import tpu_sc as plsc

_NC = 2
_NS = 16
_NW = _NC * _NS
_CH = 64


def _sc_mesh():
  return plsc.VectorSubcoreMesh(core_axis_name="c", subcore_axis_name="s")


_NB = 2


def _sc_aggregate(hs, eidx, n_pad, nch):
  d = hs.shape[1]
  rpt = n_pad // _NS
  half = nch // 2

  @functools.partial(
      pl.kernel,
      out_type=jax.ShapeDtypeStruct((_NC, n_pad, d), jnp.float32),
      mesh=_sc_mesh(),
      scratch_types=[
          pltpu.VMEM_SHARED((n_pad, d), jnp.float32),
          pltpu.VMEM((2, half, _CH), jnp.int32),
          pltpu.VMEM((_NB, _CH, d), jnp.float32),
          pltpu.SemaphoreType.DMA,
          pltpu.SemaphoreType.DMA,
      ],
  )
  def k(hs_hbm, eidx_hbm, out_hbm, agg_sh, idx, bufs, s0, s1):
    sems = (s0, s1)
    c = lax.axis_index("c")
    s = lax.axis_index("s")
    w = c * _NS + s
    pltpu.sync_copy(hs_hbm.at[pl.ds(s * rpt, rpt)],
                    agg_sh.at[pl.ds(s * rpt, rpt)])
    plsc.subcore_barrier()

    for p in range(2):
      pltpu.sync_copy(eidx_hbm.at[w, :, pl.ds(p * half, half)], idx)
      for b in range(_NB):
        pltpu.async_copy(hs_hbm.at[idx.at[0, b]], bufs.at[b], sems[b])

      @pl.loop(0, half, step=_NB)
      def _(j):
        for b in range(_NB):
          pltpu.make_async_copy(hs_hbm.at[idx.at[0, j + b]], bufs.at[b],
                                sems[b]).wait()
          pltpu.sync_copy(bufs.at[b], agg_sh.at[idx.at[1, j + b]], add=True)

          @pl.when(j + b + _NB < half)
          def _():
            pltpu.async_copy(hs_hbm.at[idx.at[0, j + b + _NB]], bufs.at[b],
                             sems[b])

    plsc.subcore_barrier()
    pltpu.sync_copy(agg_sh.at[pl.ds(s * rpt, rpt)],
                    out_hbm.at[c, pl.ds(s * rpt, rpt)])

  return k(hs, eidx)


def _sc_degree(eidx, zeros_nd, ones_chd, n_pad, nch):
  dd = zeros_nd.shape[1]
  rpt = n_pad // _NS

  @functools.partial(
      pl.kernel,
      out_type=jax.ShapeDtypeStruct((_NC, n_pad, dd), jnp.float32),
      mesh=_sc_mesh(),
      scratch_types=[
          pltpu.VMEM_SHARED((n_pad, dd), jnp.float32),
          pltpu.VMEM((nch, _CH), jnp.int32),
          pltpu.VMEM((_CH, dd), jnp.float32),
      ],
  )
  def k(eidx_hbm, zeros_hbm, ones_hbm, out_hbm, agg_sh, idx, ones_buf):
    c = lax.axis_index("c")
    s = lax.axis_index("s")
    w = c * _NS + s
    pltpu.sync_copy(eidx_hbm.at[w, 1], idx)
    pltpu.sync_copy(zeros_hbm.at[pl.ds(s * rpt, rpt)],
                    agg_sh.at[pl.ds(s * rpt, rpt)])
    pltpu.sync_copy(ones_hbm, ones_buf)
    plsc.subcore_barrier()

    @pl.loop(0, nch)
    def _(j):
      pltpu.sync_copy(ones_buf, agg_sh.at[idx.at[j]], add=True)

    plsc.subcore_barrier()
    pltpu.sync_copy(agg_sh.at[pl.ds(s * rpt, rpt)],
                    out_hbm.at[c, pl.ds(s * rpt, rpt)])

  return k(eidx, zeros_nd, ones_chd)


def _dinv_col(degp_a, degp_b, n):
  deg = degp_a + degp_b + 1.0
  return lax.rsqrt(jnp.maximum(deg, 1.0))[:n, 0:1]


def _tc_first(x, w1, degp, n_pad):
  n, d_in = x.shape
  d = w1.shape[1]

  def body(x_ref, w_ref, degp_ref, hs_ref):
    dinv = _dinv_col(degp_ref[0], degp_ref[1], n)
    h = jnp.dot(x_ref[...], w_ref[...], preferred_element_type=jnp.float32)
    hs_ref[0:n, :] = h * dinv
    hs_ref[n:n_pad, :] = jnp.zeros((n_pad - n, d), jnp.float32)

  return pl.pallas_call(
      body,
      out_shape=jax.ShapeDtypeStruct((n_pad, d), jnp.float32),
  )(x, w1, degp)


def _tc_mid(aggp, hs1, degp, b1, w2, n):
  n_pad, d = hs1.shape

  def body(aggp_ref, hs1_ref, degp_ref, b_ref, w_ref, hs2_ref):
    dinv_full = lax.rsqrt(
        jnp.maximum(degp_ref[0] + degp_ref[1] + 1.0, 1.0))[:, 0:1]
    agg = aggp_ref[0] + aggp_ref[1] - hs1_ref[...]
    h1 = jnp.maximum(dinv_full * agg + b_ref[...], 0.0)
    hs2 = jnp.dot(h1, w_ref[...],
                  preferred_element_type=jnp.float32) * dinv_full
    hs2_ref[0:n, :] = hs2[0:n, :]
    hs2_ref[n:n_pad, :] = jnp.zeros((n_pad - n, d), jnp.float32)

  return pl.pallas_call(
      body,
      out_shape=jax.ShapeDtypeStruct((n_pad, d), jnp.float32),
  )(aggp, hs1, degp, b1, w2)


def _tc_last(aggp, hs2, degp, b2, n):
  n_pad, d = hs2.shape

  def body(aggp_ref, hs2_ref, degp_ref, b_ref, out_ref):
    dinv = _dinv_col(degp_ref[0], degp_ref[1], n)
    agg = (aggp_ref[0] + aggp_ref[1] - hs2_ref[...])[0:n, :]
    v = dinv * agg + b_ref[...]
    shifted = v - jnp.max(v, axis=1, keepdims=True)
    out_ref[...] = shifted - jnp.log(
        jnp.sum(jnp.exp(shifted), axis=1, keepdims=True))

  return pl.pallas_call(
      body,
      out_shape=jax.ShapeDtypeStruct((n, d), jnp.float32),
  )(aggp, hs2, degp, b2)


@jax.jit
def kernel(x, edge_index, W1, b1, W2, b2):
  n = x.shape[0]
  e = edge_index.shape[1]

  nch = -(-e // (_NW * _CH))
  nch = ((nch + 7) // 8) * 8
  e_pad = _NW * _CH * nch
  n_pad = ((n + 1 + _NS * 8 - 1) // (_NS * 8)) * (_NS * 8)
  src = edge_index[0].astype(jnp.int32)
  dst = edge_index[1].astype(jnp.int32)
  if e_pad != e:
    fill = jnp.full((e_pad - e,), n, dtype=jnp.int32)
    src = jnp.concatenate([src, fill])
    dst = jnp.concatenate([dst, fill])
  eidx = jnp.stack(
      [src.reshape(_NW, nch, _CH), dst.reshape(_NW, nch, _CH)], axis=1)
  zeros_nd = jnp.zeros((n_pad, 128), jnp.float32)
  ones_chd = jnp.ones((_CH, 128), jnp.float32)

  degp = _sc_degree(eidx, zeros_nd, ones_chd, n_pad, nch)
  hs1 = _tc_first(x, W1, degp, n_pad)
  aggp1 = _sc_aggregate(hs1, eidx, n_pad, nch)
  hs2 = _tc_mid(aggp1, hs1, degp, b1.reshape(1, -1), W2, n)
  aggp2 = _sc_aggregate(hs2, eidx, n_pad, nch)
  return _tc_last(aggp2, hs2, degp, b2.reshape(1, -1), n)

# --- scband reference (transcript-rebuilt; emitter-appended) ---
"""Pipeline reference for scband-gcnnet-89833535963136 (READ-ONLY COPY).

The authoritative reference and input builder live on the scoring server;
editing this copy changes nothing except your own understanding.
"""

import jax, jax.numpy as jnp
import numpy as np

N = 10000
E = 320000
D_IN = 128
D_HID = 128
D_OUT = 128


def setup_inputs(seed: int = 0) -> dict:
    key = jax.random.key(seed)
    k1, k2, k3, k4, k5, k6 = jax.random.split(key, 6)
    x = jax.random.normal(k1, (N, D_IN), dtype=jnp.float32)
    edge_index = jax.random.randint(k2, (2, E), 0, N, dtype=jnp.int32)
    W1 = jax.random.normal(k3, (D_IN, D_HID), dtype=jnp.float32) * (1.0 / np.sqrt(D_IN))
    b1 = jnp.zeros((D_HID,), dtype=jnp.float32)
    W2 = jax.random.normal(k4, (D_HID, D_OUT), dtype=jnp.float32) * (1.0 / np.sqrt(D_HID))
    b2 = jnp.zeros((D_OUT,), dtype=jnp.float32)
    return {"x": x, "edge_index": edge_index, "W1": W1, "b1": b1, "W2": W2, "b2": b2}


def _gcn_layer(x, src, dst, norm, W, b):
    # x' = D^{-1/2} (A + I) D^{-1/2} X W + b  (scatter-add aggregation)
    h = x @ W
    msgs = h[src] * norm[:, None]
    out = jnp.zeros_like(h).at[dst].add(msgs)
    return out + b


def reference(x, edge_index, W1, b1, W2, b2):
    n = x.shape[0]
    # add self-loops (standard GCN)
    loop = jnp.arange(n, dtype=edge_index.dtype)
    src = jnp.concatenate([edge_index[0], loop])
    dst = jnp.concatenate([edge_index[1], loop])
    # symmetric normalization from in-degree (with self-loops)
    deg = jnp.zeros((n,), dtype=x.dtype).at[dst].add(1.0)
    dinv = jax.lax.rsqrt(jnp.maximum(deg, 1.0))
    norm = dinv[src] * dinv[dst]
    h = _gcn_layer(x, src, dst, norm, W1, b1)
    h = jax.nn.relu(h)
    # dropout p=0 in eval/training with p=0 -> identity
    h = _gcn_layer(h, src, dst, norm, W2, b2)
    return jax.nn.log_softmax(h, axis=1)

if __name__ == "__main__":
    import jax
    _d = setup_inputs()
    print(jax.jit(kernel)(*tuple(_d.values())))

</pallas_src>

<mosaic_0001>
#map = affine_map<(d0, d1) -> (0, 0)>
#map1 = affine_map<(d0, d1) -> (0, 0, 0, 0)>
#map2 = affine_map<(d0, d1) -> (0, 0, 0)>
module attributes {stable_mosaic.version = 14 : i64} {
  func.func @k(%arg0: i32, %arg1: i32, %arg2: memref<10112x128xf32, #tpu.memory_space<hbm>>, %arg3: memref<32x2x160x64xi32, #tpu.memory_space<hbm>>, %arg4: memref<2x10112x128xf32, #tpu.memory_space<hbm>>, %arg5: memref<10112x128xf32, #tpu.memory_space<vmem_shared>>, %arg6: memref<2x80x64xi32, #tpu.memory_space<vmem>>, %arg7: memref<2x64x128xf32, #tpu.memory_space<vmem>>, %arg8: memref<!tpu.dma_semaphore, #tpu.memory_space<semaphore_mem>>, %arg9: memref<!tpu.dma_semaphore, #tpu.memory_space<semaphore_mem>>) attributes {dimension_semantics = [#tpu.dimension_semantics<core_parallel>, #tpu.dimension_semantics<subcore_parallel>], iteration_bounds = array<i64: 2, 16>, scalar_prefetch = 0 : i64, scratch_operands = 5 : i64, tpu.core_type = #tpu.core_type<sc_vector_subcore>, window_params = [{transform_indices = #map}, {transform_indices = #map1}, {transform_indices = #map2}]} {
    %mul3A = arith.constant 16 : i32
    %mul3A_0 = arith.muli %arg0, %mul3A : i32
    %add3A = arith.addi %mul3A_0, %arg1 : i32
    %mul3A_1 = arith.constant 632 : i32
    %mul3A_2 = arith.muli %arg1, %mul3A_1 : i32
    %mul3A_3 = arith.constant 632 : i32
    %mul3A_4 = arith.muli %arg1, %mul3A_3 : i32
    "tpu.region"() ({
      %run_scoped3A = tpu.sem_alloc : memref<!tpu.dma_semaphore, #tpu.memory_space<semaphore_mem>>
      %dma_start3A_70 = arith.constant 0 : i32
      %dma_start3A_71 = tpu.memref_slice %arg5[%mul3A_4, %dma_start3A_70] : memref<10112x128xf32, #tpu.memory_space<vmem_shared>> -> memref<632x128xf32, #tpu.memory_space<vmem_shared>>
      %dma_start3A_72 = arith.constant 0 : i32
      %dma_start3A_73 = tpu.memref_slice %arg2[%mul3A_2, %dma_start3A_72] : memref<10112x128xf32, #tpu.memory_space<hbm>> -> memref<632x128xf32, #tpu.memory_space<hbm>>
      tpu.enqueue_dma source(%dma_start3A_73 : memref<632x128xf32, #tpu.memory_space<hbm>>) target(%dma_start3A_71 : memref<632x128xf32, #tpu.memory_space<vmem_shared>>) target_semaphore(%run_scoped3A : memref<!tpu.dma_semaphore, #tpu.memory_space<semaphore_mem>>)
      %dma_wait3A = arith.constant 0 : i32
      %dma_wait3A_74 = tpu.memref_slice %arg5[%mul3A_4, %dma_wait3A] : memref<10112x128xf32, #tpu.memory_space<vmem_shared>> -> memref<632x128xf32, #tpu.memory_space<vmem_shared>>
      %dma_wait3A_75 = arith.constant 0 : i32
      %dma_wait3A_76 = tpu.memref_slice %arg2[%mul3A_2, %dma_wait3A_75] : memref<10112x128xf32, #tpu.memory_space<hbm>> -> memref<632x128xf32, #tpu.memory_space<hbm>>
      tpu.wait_dma2 semaphore(%run_scoped3A : memref<!tpu.dma_semaphore, #tpu.memory_space<semaphore_mem>>) src(%dma_wait3A_76 : memref<632x128xf32, #tpu.memory_space<hbm>>) dst(%dma_wait3A_74 : memref<632x128xf32, #tpu.memory_space<vmem_shared>>)
      tpu.yield
    }) : () -> ()
    %barrier3A = arith.constant 0 : index
    tpu.barrier barrier_id(%barrier3A)
    "tpu.region"() ({
      %run_scoped3A = tpu.sem_alloc : memref<!tpu.dma_semaphore, #tpu.memory_space<semaphore_mem>>
      %dma_start3A_70 = arith.constant 0 : i32
      %dma_start3A_71 = arith.constant 0 : i32
      %dma_start3A_72 = arith.constant 0 : i32
      %dma_start3A_73 = tpu.memref_slice %arg3[%add3A, %dma_start3A_70, %dma_start3A_71, %dma_start3A_72] : memref<32x2x160x64xi32, #tpu.memory_space<hbm>> -> memref<1x2x80x64xi32, #tpu.memory_space<hbm>>
      %dma_start3A_74 = tpu.memref_squeeze %dma_start3A_73 : memref<1x2x80x64xi32, #tpu.memory_space<hbm>> -> memref<2x80x64xi32, #tpu.memory_space<hbm>>
      %dma_start3A_75 = arith.constant 0 : i32
      %dma_start3A_76 = arith.constant 0 : i32
      %dma_start3A_77 = arith.constant 0 : i32
      %dma_start3A_78 = tpu.memref_slice %arg3[%add3A, %dma_start3A_75, %dma_start3A_76, %dma_start3A_77] : memref<32x2x160x64xi32, #tpu.memory_space<hbm>> -> memref<1x2x80x64xi32, #tpu.memory_space<hbm>>
      %dma_start3A_79 = tpu.memref_squeeze %dma_start3A_78 : memref<1x2x80x64xi32, #tpu.memory_space<hbm>> -> memref<2x80x64xi32, #tpu.memory_space<hbm>>
      tpu.enqueue_dma source(%dma_start3A_79 : memref<2x80x64xi32, #tpu.memory_space<hbm>>) target(%arg6 : memref<2x80x64xi32, #tpu.memory_space<vmem>>) target_semaphore(%run_scoped3A : memref<!tpu.dma_semaphore, #tpu.memory_space<semaphore_mem>>)
      %dma_wait3A = arith.constant 0 : i32
      %dma_wait3A_80 = arith.constant 0 : i32
      %dma_wait3A_81 = arith.constant 0 : i32
      %dma_wait3A_82 = tpu.memref_slice %arg3[%add3A, %dma_wait3A, %dma_wait3A_80, %dma_wait3A_81] : memref<32x2x160x64xi32, #tpu.memory_space<hbm>> -> memref<1x2x80x64xi32, #tpu.memory_space<hbm>>
      %dma_wait3A_83 = tpu.memref_squeeze %dma_wait3A_82 : memref<1x2x80x64xi32, #tpu.memory_space<hbm>> -> memref<2x80x64xi32, #tpu.memory_space<hbm>>
      %dma_wait3A_84 = arith.constant 0 : i32
      %dma_wait3A_85 = arith.constant 0 : i32
      %dma_wait3A_86 = arith.constant 0 : i32
      %dma_wait3A_87 = tpu.memref_slice %arg3[%add3A, %dma_wait3A_84, %dma_wait3A_85, %dma_wait3A_86] : memref<32x2x160x64xi32, #tpu.memory_space<hbm>> -> memref<1x2x80x64xi32, #tpu.memory_space<hbm>>
      %dma_wait3A_88 = tpu.memref_squeeze %dma_wait3A_87 : memref<1x2x80x64xi32, #tpu.memory_space<hbm>> -> memref<2x80x64xi32, #tpu.memory_space<hbm>>
      tpu.wait_dma2 semaphore(%run_scoped3A : memref<!tpu.dma_semaphore, #tpu.memory_space<semaphore_mem>>) src(%dma_wait3A_88 : memref<2x80x64xi32, #tpu.memory_space<hbm>>) dst(%arg6 : memref<2x80x64xi32, #tpu.memory_space<vmem>>)
      tpu.yield
    }) : () -> ()
    %dma_start3A = arith.constant 0 : i32
    %dma_start3A_5 = arith.constant 0 : i32
    %dma_start3A_6 = arith.constant 0 : i32
    %dma_start3A_7 = arith.constant 0 : i32
    %dma_start3A_8 = arith.constant 0 : i32
    %dma_start3A_9 = tpu.memref_slice %arg7[%dma_start3A_6, %dma_start3A_7, %dma_start3A_8] : memref<2x64x128xf32, #tpu.memory_space<vmem>> -> memref<1x64x128xf32, #tpu.memory_space<vmem>>
    %dma_start3A_10 = tpu.memref_squeeze %dma_start3A_9 : memref<1x64x128xf32, #tpu.memory_space<vmem>> -> memref<64x128xf32, #tpu.memory_space<vmem>>
    %dma_start3A_11 = arith.constant 0 : i32
    %dma_start3A_12 = tpu.memref_slice %arg6[%dma_start3A, %dma_start3A_5, %dma_start3A_11] : memref<2x80x64xi32, #tpu.memory_space<vmem>> -> memref<1x1x64xi32, #tpu.memory_space<vmem>>
    %dma_start3A_13 = tpu.memref_squeeze %dma_start3A_12 : memref<1x1x64xi32, #tpu.memory_space<vmem>> -> memref<64xi32, #tpu.memory_space<vmem>>
    %dma_start3A_14 = arith.constant 0 : i32
    %dma_start3A_15 = arith.constant 0 : i32
    %dma_start3A_16 = tpu.memref_slice %arg2[%dma_start3A_14, %dma_start3A_15] : memref<10112x128xf32, #tpu.memory_space<hbm>> -> memref<10112x128xf32, #tpu.memory_space<hbm>>
    tpu.enqueue_indirect_dma source(%dma_start3A_16 : memref<10112x128xf32, #tpu.memory_space<hbm>>) target(%dma_start3A_10 : memref<64x128xf32, #tpu.memory_space<vmem>>) offsets(%dma_start3A_13 : memref<64xi32, #tpu.memory_space<vmem>>) semaphore(%arg8 : memref<!tpu.dma_semaphore, #tpu.memory_space<semaphore_mem>>)
    %dma_start3A_17 = arith.constant 0 : i32
    %dma_start3A_18 = arith.constant 1 : i32
    %dma_start3A_19 = arith.constant 1 : i32
    %dma_start3A_20 = arith.constant 0 : i32
    %dma_start3A_21 = arith.constant 0 : i32
    %dma_start3A_22 = tpu.memref_slice %arg7[%dma_start3A_19, %dma_start3A_20, %dma_start3A_21] : memref<2x64x128xf32, #tpu.memory_space<vmem>> -> memref<1x64x128xf32, #tpu.memory_space<vmem>>
    %dma_start3A_23 = tpu.memref_squeeze %dma_start3A_22 : memref<1x64x128xf32, #tpu.memory_space<vmem>> -> memref<64x128xf32, #tpu.memory_space<vmem>>
    %dma_start3A_24 = arith.constant 0 : i32
    %dma_start3A_25 = tpu.memref_slice %arg6[%dma_start3A_17, %dma_start3A_18, %dma_start3A_24] : memref<2x80x64xi32, #tpu.memory_space<vmem>> -> memref<1x1x64xi32, #tpu.memory_space<vmem>>
    %dma_start3A_26 = tpu.memref_squeeze %dma_start3A_25 : memref<1x1x64xi32, #tpu.memory_space<vmem>> -> memref<64xi32, #tpu.memory_space<vmem>>
    %dma_start3A_27 = arith.constant 0 : i32
    %dma_start3A_28 = arith.constant 0 : i32
    %dma_start3A_29 = tpu.memref_slice %arg2[%dma_start3A_27, %dma_start3A_28] : memref<10112x128xf32, #tpu.memory_space<hbm>> -> memref<10112x128xf32, #tpu.memory_space<hbm>>
    tpu.enqueue_indirect_dma source(%dma_start3A_29 : memref<10112x128xf32, #tpu.memory_space<hbm>>) target(%dma_start3A_23 : memref<64x128xf32, #tpu.memory_space<vmem>>) offsets(%dma_start3A_26 : memref<64xi32, #tpu.memory_space<vmem>>) semaphore(%arg9 : memref<!tpu.dma_semaphore, #tpu.memory_space<semaphore_mem>>)
    %scan3A = arith.constant 0 : i32
    %scan3A_30 = arith.constant 40 : i32
    %scan3A_31 = arith.addi %scan3A, %scan3A_30 : i32
    %scan3A_32 = arith.constant 1 : i32
    scf.for %scan3A_70 = %scan3A to %scan3A_31 step %scan3A_32  : i32 {
      %mul3A_71 = arith.constant 2 : i32
      %mul3A_72 = arith.muli %scan3A_70, %mul3A_71 : i32
      %add3A_73 = arith.constant 0 : i32
      %add3A_74 = arith.addi %add3A_73, %mul3A_72 : i32
      %add3A_75 = arith.constant 0 : i32
      %add3A_76 = arith.addi %add3A_74, %add3A_75 : i32
      %dma_wait3A = arith.constant 0 : i32
      %dma_wait3A_77 = arith.constant 0 : i32
      %dma_wait3A_78 = arith.constant 0 : i32
      %dma_wait3A_79 = arith.constant 0 : i32
      %dma_wait3A_80 = tpu.memref_slice %arg7[%dma_wait3A_77, %dma_wait3A_78, %dma_wait3A_79] : memref<2x64x128xf32, #tpu.memory_space<vmem>> -> memref<1x64x128xf32, #tpu.memory_space<vmem>>
      %dma_wait3A_81 = tpu.memref_squeeze %dma_wait3A_80 : memref<1x64x128xf32, #tpu.memory_space<vmem>> -> memref<64x128xf32, #tpu.memory_space<vmem>>
      %dma_wait3A_82 = arith.constant 0 : i32
      %dma_wait3A_83 = tpu.memref_slice %arg6[%dma_wait3A, %add3A_76, %dma_wait3A_82] : memref<2x80x64xi32, #tpu.memory_space<vmem>> -> memref<1x1x64xi32, #tpu.memory_space<vmem>>
      %dma_wait3A_84 = tpu.memref_squeeze %dma_wait3A_83 : memref<1x1x64xi32, #tpu.memory_space<vmem>> -> memref<64xi32, #tpu.memory_space<vmem>>
      %dma_wait3A_85 = arith.constant 0 : i32
      %dma_wait3A_86 = arith.constant 0 : i32
      %dma_wait3A_87 = tpu.memref_slice %arg2[%dma_wait3A_85, %dma_wait3A_86] : memref<10112x128xf32, #tpu.memory_space<hbm>> -> memref<10112x128xf32, #tpu.memory_space<hbm>>
      tpu.wait_indirect_dma semaphore(%arg8 : memref<!tpu.dma_semaphore, #tpu.memory_space<semaphore_mem>>) src(%dma_wait3A_87 : memref<10112x128xf32, #tpu.memory_space<hbm>>) dst(%dma_wait3A_81 : memref<64x128xf32, #tpu.memory_space<vmem>>)
      %add3A_88 = arith.constant 0 : i32
      %add3A_89 = arith.addi %add3A_74, %add3A_88 : i32
      %run_scoped3A = arith.constant 0 : i32
      %run_scoped3A_90 = arith.constant 1 : i32
      "tpu.region"() ({
        %run_scoped3A_124 = tpu.sem_alloc : memref<!tpu.dma_semaphore, #tpu.memory_space<semaphore_mem>>
        %dma_start3A_125 = arith.constant 0 : i32
        %dma_start3A_126 = arith.constant 0 : i32
        %dma_start3A_127 = tpu.memref_slice %arg7[%run_scoped3A, %dma_start3A_125, %dma_start3A_126] : memref<2x64x128xf32, #tpu.memory_space<vmem>> -> memref<1x64x128xf32, #tpu.memory_space<vmem>>
        %dma_start3A_128 = tpu.memref_squeeze %dma_start3A_127 : memref<1x64x128xf32, #tpu.memory_space<vmem>> -> memref<64x128xf32, #tpu.memory_space<vmem>>
        %dma_start3A_129 = arith.constant 0 : i32
        %dma_start3A_130 = tpu.memref_slice %arg6[%run_scoped3A_90, %add3A_89, %dma_start3A_129] : memref<2x80x64xi32, #tpu.memory_space<vmem>> -> memref<1x1x64xi32, #tpu.memory_space<vmem>>
        %dma_start3A_131 = tpu.memref_squeeze %dma_start3A_130 : memref<1x1x64xi32, #tpu.memory_space<vmem>> -> memref<64xi32, #tpu.memory_space<vmem>>
        %dma_start3A_132 = arith.constant 0 : i32
        %dma_start3A_133 = arith.constant 0 : i32
        %dma_start3A_134 = tpu.memref_slice %arg5[%dma_start3A_132, %dma_start3A_133] : memref<10112x128xf32, #tpu.memory_space<vmem_shared>> -> memref<10112x128xf32, #tpu.memory_space<vmem_shared>>
        tpu.enqueue_indirect_dma source(%dma_start3A_128 : memref<64x128xf32, #tpu.memory_space<vmem>>) target(%dma_start3A_134 : memref<10112x128xf32, #tpu.memory_space<vmem_shared>>) offsets(%dma_start3A_131 : memref<64xi32, #tpu.memory_space<vmem>>) semaphore(%run_scoped3A_124 : memref<!tpu.dma_semaphore, #tpu.memory_space<semaphore_mem>>) {add = true}
        %dma_wait3A_135 = arith.constant 0 : i32
        %dma_wait3A_136 = arith.constant 0 : i32
        %dma_wait3A_137 = tpu.memref_slice %arg7[%run_scoped3A, %dma_wait3A_135, %dma_wait3A_136] : memref<2x64x128xf32, #tpu.memory_space<vmem>> -> memref<1x64x128xf32, #tpu.memory_space<vmem>>
        %dma_wait3A_138 = tpu.memref_squeeze %dma_wait3A_137 : memref<1x64x128xf32, #tpu.memory_space<vmem>> -> memref<64x128xf32, #tpu.memory_space<vmem>>
        %dma_wait3A_139 = arith.constant 0 : i32
        %dma_wait3A_140 = tpu.memref_slice %arg6[%run_scoped3A_90, %add3A_89, %dma_wait3A_139] : memref<2x80x64xi32, #tpu.memory_space<vmem>> -> memref<1x1x64xi32, #tpu.memory_space<vmem>>
        %dma_wait3A_141 = tpu.memref_squeeze %dma_wait3A_140 : memref<1x1x64xi32, #tpu.memory_space<vmem>> -> memref<64xi32, #tpu.memory_space<vmem>>
        %dma_wait3A_142 = arith.constant 0 : i32
        %dma_wait3A_143 = arith.constant 0 : i32
        %dma_wait3A_144 = tpu.memref_slice %arg5[%dma_wait3A_142, %dma_wait3A_143] : memref<10112x128xf32, #tpu.memory_space<vmem_shared>> -> memref<10112x128xf32, #tpu.memory_space<vmem_shared>>
        tpu.wait_indirect_dma semaphore(%run_scoped3A_124 : memref<!tpu.dma_semaphore, #tpu.memory_space<semaphore_mem>>) src(%dma_wait3A_138 : memref<64x128xf32, #tpu.memory_space<vmem>>) dst(%dma_wait3A_144 : memref<10112x128xf32, #tpu.memory_space<vmem_shared>>)
        tpu.yield
      }) : () -> ()
      %add3A_91 = arith.constant 0 : i32
      %add3A_92 = arith.addi %add3A_74, %add3A_91 : i32
      %add3A_93 = arith.constant 2 : i32
      %add3A_94 = arith.addi %add3A_92, %add3A_93 : i32
      %lt3A = arith.constant 80 : i32
      %lt3A_95 = arith.cmpi slt, %add3A_94, %lt3A : i32
      %convert_element_type3A = arith.extui %lt3A_95 : i1 to i32
      %cond3A = arith.constant 0 : i32
      %cond3A_96 = arith.cmpi ne, %convert_element_type3A, %cond3A : i32
      scf.if %cond3A_96 {
        %add3A_124 = arith.constant 0 : i32
        %add3A_125 = arith.addi %add3A_74, %add3A_124 : i32
        %add3A_126 = arith.constant 2 : i32
        %add3A_127 = arith.addi %add3A_125, %add3A_126 : i32
        %dma_start3A_128 = arith.constant 0 : i32
        %dma_start3A_129 = arith.constant 0 : i32
        %dma_start3A_130 = arith.constant 0 : i32
        %dma_start3A_131 = arith.constant 0 : i32
        %dma_start3A_132 = tpu.memref_slice %arg7[%dma_start3A_129, %dma_start3A_130, %dma_start3A_131] : memref<2x64x128xf32, #tpu.memory_space<vmem>> -> memref<1x64x128xf32, #tpu.memory_space<vmem>>
        %dma_start3A_133 = tpu.memref_squeeze %dma_start3A_132 : memref<1x64x128xf32, #tpu.memory_space<vmem>> -> memref<64x128xf32, #tpu.memory_space<vmem>>
        %dma_start3A_134 = arith.constant 0 : i32
        %dma_start3A_135 = tpu.memref_slice %arg6[%dma_start3A_128, %add3A_127, %dma_start3A_134] : memref<2x80x64xi32, #tpu.memory_space<vmem>> -> memref<1x1x64xi32, #tpu.memory_space<vmem>>
        %dma_start3A_136 = tpu.memref_squeeze %dma_start3A_135 : memref<1x1x64xi32, #tpu.memory_space<vmem>> -> memref<64xi32, #tpu.memory_space<vmem>>
        %dma_start3A_137 = arith.constant 0 : i32
        %dma_start3A_138 = arith.constant 0 : i32
        %dma_start3A_139 = tpu.memref_slice %arg2[%dma_start3A_137, %dma_start3A_138] : memref<10112x128xf32, #tpu.memory_space<hbm>> -> memref<10112x128xf32, #tpu.memory_space<hbm>>
        tpu.enqueue_indirect_dma source(%dma_start3A_139 : memref<10112x128xf32, #tpu.memory_space<hbm>>) target(%dma_start3A_133 : memref<64x128xf32, #tpu.memory_space<vmem>>) offsets(%dma_start3A_136 : memref<64xi32, #tpu.memory_space<vmem>>) semaphore(%arg8 : memref<!tpu.dma_semaphore, #tpu.memory_space<semaphore_mem>>)
      } else {
      }
      %add3A_97 = arith.constant 1 : i32
      %add3A_98 = arith.addi %add3A_74, %add3A_97 : i32
      %dma_wait3A_99 = arith.constant 0 : i32
      %dma_wait3A_100 = arith.constant 1 : i32
      %dma_wait3A_101 = arith.constant 0 : i32
      %dma_wait3A_102 = arith.constant 0 : i32
      %dma_wait3A_103 = tpu.memref_slice %arg7[%dma_wait3A_100, %dma_wait3A_101, %dma_wait3A_102] : memref<2x64x128xf32, #tpu.memory_space<vmem>> -> memref<1x64x128xf32, #tpu.memory_space<vmem>>
      %dma_wait3A_104 = tpu.memref_squeeze %dma_wait3A_103 : memref<1x64x128xf32, #tpu.memory_space<vmem>> -> memref<64x128xf32, #tpu.memory_space<vmem>>
      %dma_wait3A_105 = arith.constant 0 : i32
      %dma_wait3A_106 = tpu.memref_slice %arg6[%dma_wait3A_99, %add3A_98, %dma_wait3A_105] : memref<2x80x64xi32, #tpu.memory_space<vmem>> -> memref<1x1x64xi32, #tpu.memory_space<vmem>>
      %dma_wait3A_107 = tpu.memref_squeeze %dma_wait3A_106 : memref<1x1x64xi32, #tpu.memory_space<vmem>> -> memref<64xi32, #tpu.memory_space<vmem>>
      %dma_wait3A_108 = arith.constant 0 : i32
      %dma_wait3A_109 = arith.constant 0 : i32
      %dma_wait3A_110 = tpu.memref_slice %arg2[%dma_wait3A_108, %dma_wait3A_109] : memref<10112x128xf32, #tpu.memory_space<hbm>> -> memref<10112x128xf32, #tpu.memory_space<hbm>>
      tpu.wait_indirect_dma semaphore(%arg9 : memref<!tpu.dma_semaphore, #tpu.memory_space<semaphore_mem>>) src(%dma_wait3A_110 : memref<10112x128xf32, #tpu.memory_space<hbm>>) dst(%dma_wait3A_104 : memref<64x128xf32, #tpu.memory_space<vmem>>)
      %add3A_111 = arith.constant 1 : i32
      %add3A_112 = arith.addi %add3A_74, %add3A_111 : i32
      %run_scoped3A_113 = arith.constant 1 : i32
      %run_scoped3A_114 = arith.constant 1 : i32
      "tpu.region"() ({
        %run_scoped3A_124 = tpu.sem_alloc : memref<!tpu.dma_semaphore, #tpu.memory_space<semaphore_mem>>
        %dma_start3A_125 = arith.constant 0 : i32
        %dma_start3A_126 = arith.constant 0 : i32
        %dma_start3A_127 = tpu.memref_slice %arg7[%run_scoped3A_113, %dma_start3A_125, %dma_start3A_126] : memref<2x64x128xf32, #tpu.memory_space<vmem>> -> memref<1x64x128xf32, #tpu.memory_space<vmem>>
        %dma_start3A_128 = tpu.memref_squeeze %dma_start3A_127 : memref<1x64x128xf32, #tpu.memory_space<vmem>> -> memref<64x128xf32, #tpu.memory_space<vmem>>
        %dma_start3A_129 = arith.constant 0 : i32
        %dma_start3A_130 = tpu.memref_slice %arg6[%run_scoped3A_114, %add3A_112, %dma_start3A_129] : memref<2x80x64xi32, #tpu.memory_space<vmem>> -> memref<1x1x64xi32, #tpu.memory_space<vmem>>
        %dma_start3A_131 = tpu.memref_squeeze %dma_start3A_130 : memref<1x1x64xi32, #tpu.memory_space<vmem>> -> memref<64xi32, #tpu.memory_space<vmem>>
        %dma_start3A_132 = arith.constant 0 : i32
        %dma_start3A_133 = arith.constant 0 : i32
        %dma_start3A_134 = tpu.memref_slice %arg5[%dma_start3A_132, %dma_start3A_133] : memref<10112x128xf32, #tpu.memory_space<vmem_shared>> -> memref<10112x128xf32, #tpu.memory_space<vmem_shared>>
        tpu.enqueue_indirect_dma source(%dma_start3A_128 : memref<64x128xf32, #tpu.memory_space<vmem>>) target(%dma_start3A_134 : memref<10112x128xf32, #tpu.memory_space<vmem_shared>>) offsets(%dma_start3A_131 : memref<64xi32, #tpu.memory_space<vmem>>) semaphore(%run_scoped3A_124 : memref<!tpu.dma_semaphore, #tpu.memory_space<semaphore_mem>>) {add = true}
        %dma_wait3A_135 = arith.constant 0 : i32
        %dma_wait3A_136 = arith.constant 0 : i32
        %dma_wait3A_137 = tpu.memref_slice %arg7[%run_scoped3A_113, %dma_wait3A_135, %dma_wait3A_136] : memref<2x64x128xf32, #tpu.memory_space<vmem>> -> memref<1x64x128xf32, #tpu.memory_space<vmem>>
        %dma_wait3A_138 = tpu.memref_squeeze %dma_wait3A_137 : memref<1x64x128xf32, #tpu.memory_space<vmem>> -> memref<64x128xf32, #tpu.memory_space<vmem>>
        %dma_wait3A_139 = arith.constant 0 : i32
        %dma_wait3A_140 = tpu.memref_slice %arg6[%run_scoped3A_114, %add3A_112, %dma_wait3A_139] : memref<2x80x64xi32, #tpu.memory_space<vmem>> -> memref<1x1x64xi32, #tpu.memory_space<vmem>>
        %dma_wait3A_141 = tpu.memref_squeeze %dma_wait3A_140 : memref<1x1x64xi32, #tpu.memory_space<vmem>> -> memref<64xi32, #tpu.memory_space<vmem>>
        %dma_wait3A_142 = arith.constant 0 : i32
        %dma_wait3A_143 = arith.constant 0 : i32
        %dma_wait3A_144 = tpu.memref_slice %arg5[%dma_wait3A_142, %dma_wait3A_143] : memref<10112x128xf32, #tpu.memory_space<vmem_shared>> -> memref<10112x128xf32, #tpu.memory_space<vmem_shared>>
        tpu.wait_indirect_dma semaphore(%run_scoped3A_124 : memref<!tpu.dma_semaphore, #tpu.memory_space<semaphore_mem>>) src(%dma_wait3A_138 : memref<64x128xf32, #tpu.memory_space<vmem>>) dst(%dma_wait3A_144 : memref<10112x128xf32, #tpu.memory_space<vmem_shared>>)
        tpu.yield
      }) : () -> ()
      %add3A_115 = arith.constant 1 : i32
      %add3A_116 = arith.addi %add3A_74, %add3A_115 : i32
      %add3A_117 = arith.constant 2 : i32
      %add3A_118 = arith.addi %add3A_116, %add3A_117 : i32
      %lt3A_119 = arith.constant 80 : i32
      %lt3A_120 = arith.cmpi slt, %add3A_118, %lt3A_119 : i32
      %convert_element_type3A_121 = arith.extui %lt3A_120 : i1 to i32
      %cond3A_122 = arith.constant 0 : i32
      %cond3A_123 = arith.cmpi ne, %convert_element_type3A_121, %cond3A_122 : i32
      scf.if %cond3A_123 {
        %add3A_124 = arith.constant 1 : i32
        %add3A_125 = arith.addi %add3A_74, %add3A_124 : i32
        %add3A_126 = arith.constant 2 : i32
        %add3A_127 = arith.addi %add3A_125, %add3A_126 : i32
        %dma_start3A_128 = arith.constant 0 : i32
        %dma_start3A_129 = arith.constant 1 : i32
        %dma_start3A_130 = arith.constant 0 : i32
        %dma_start3A_131 = arith.constant 0 : i32
        %dma_start3A_132 = tpu.memref_slice %arg7[%dma_start3A_129, %dma_start3A_130, %dma_start3A_131] : memref<2x64x128xf32, #tpu.memory_space<vmem>> -> memref<1x64x128xf32, #tpu.memory_space<vmem>>
        %dma_start3A_133 = tpu.memref_squeeze %dma_start3A_132 : memref<1x64x128xf32, #tpu.memory_space<vmem>> -> memref<64x128xf32, #tpu.memory_space<vmem>>
        %dma_start3A_134 = arith.constant 0 : i32
        %dma_start3A_135 = tpu.memref_slice %arg6[%dma_start3A_128, %add3A_127, %dma_start3A_134] : memref<2x80x64xi32, #tpu.memory_space<vmem>> -> memref<1x1x64xi32, #tpu.memory_space<vmem>>
        %dma_start3A_136 = tpu.memref_squeeze %dma_start3A_135 : memref<1x1x64xi32, #tpu.memory_space<vmem>> -> memref<64xi32, #tpu.memory_space<vmem>>
        %dma_start3A_137 = arith.constant 0 : i32
        %dma_start3A_138 = arith.constant 0 : i32
        %dma_start3A_139 = tpu.memref_slice %arg2[%dma_start3A_137, %dma_start3A_138] : memref<10112x128xf32, #tpu.memory_space<hbm>> -> memref<10112x128xf32, #tpu.memory_space<hbm>>
        tpu.enqueue_indirect_dma source(%dma_start3A_139 : memref<10112x128xf32, #tpu.memory_space<hbm>>) target(%dma_start3A_133 : memref<64x128xf32, #tpu.memory_space<vmem>>) offsets(%dma_start3A_136 : memref<64xi32, #tpu.memory_space<vmem>>) semaphore(%arg9 : memref<!tpu.dma_semaphore, #tpu.memory_space<semaphore_mem>>)
      } else {
      }
    }
    %scan3A_33 = arith.constant 40 : i32
    "tpu.region"() ({
      %run_scoped3A = tpu.sem_alloc : memref<!tpu.dma_semaphore, #tpu.memory_space<semaphore_mem>>
      %dma_start3A_70 = arith.constant 0 : i32
      %dma_start3A_71 = arith.constant 80 : i32
      %dma_start3A_72 = arith.constant 0 : i32
      %dma_start3A_73 = tpu.memref_slice %arg3[%add3A, %dma_start3A_70, %dma_start3A_71, %dma_start3A_72] : memref<32x2x160x64xi32, #tpu.memory_space<hbm>> -> memref<1x2x80x64xi32, #tpu.memory_space<hbm>>
      %dma_start3A_74 = tpu.memref_squeeze %dma_start3A_73 : memref<1x2x80x64xi32, #tpu.memory_space<hbm>> -> memref<2x80x64xi32, #tpu.memory_space<hbm>>
      %dma_start3A_75 = arith.constant 0 : i32
      %dma_start3A_76 = arith.constant 80 : i32
      %dma_start3A_77 = arith.constant 0 : i32
      %dma_start3A_78 = tpu.memref_slice %arg3[%add3A, %dma_start3A_75, %dma_start3A_76, %dma_start3A_77] : memref<32x2x160x64xi32, #tpu.memory_space<hbm>> -> memref<1x2x80x64xi32, #tpu.memory_space<hbm>>
      %dma_start3A_79 = tpu.memref_squeeze %dma_start3A_78 : memref<1x2x80x64xi32, #tpu.memory_space<hbm>> -> memref<2x80x64xi32, #tpu.memory_space<hbm>>
      tpu.enqueue_dma source(%dma_start3A_79 : memref<2x80x64xi32, #tpu.memory_space<hbm>>) target(%arg6 : memref<2x80x64xi32, #tpu.memory_space<vmem>>) target_semaphore(%run_scoped3A : memref<!tpu.dma_semaphore, #tpu.memory_space<semaphore_mem>>)
      %dma_wait3A = arith.constant 0 : i32
      %dma_wait3A_80 = arith.constant 80 : i32
      %dma_wait3A_81 = arith.constant 0 : i32
      %dma_wait3A_82 = tpu.memref_slice %arg3[%add3A, %dma_wait3A, %dma_wait3A_80, %dma_wait3A_81] : memref<32x2x160x64xi32, #tpu.memory_space<hbm>> -> memref<1x2x80x64xi32, #tpu.memory_space<hbm>>
      %dma_wait3A_83 = tpu.memref_squeeze %dma_wait3A_82 : memref<1x2x80x64xi32, #tpu.memory_space<hbm>> -> memref<2x80x64xi32, #tpu.memory_space<hbm>>
      %dma_wait3A_84 = arith.constant 0 : i32
      %dma_wait3A_85 = arith.constant 80 : i32
      %dma_wait3A_86 = arith.constant 0 : i32
      %dma_wait3A_87 = tpu.memref_slice %arg3[%add3A, %dma_wait3A_84, %dma_wait3A_85, %dma_wait3A_86] : memref<32x2x160x64xi32, #tpu.memory_space<hbm>> -> memref<1x2x80x64xi32, #tpu.memory_space<hbm>>
      %dma_wait3A_88 = tpu.memref_squeeze %dma_wait3A_87 : memref<1x2x80x64xi32, #tpu.memory_space<hbm>> -> memref<2x80x64xi32, #tpu.memory_space<hbm>>
      tpu.wait_dma2 semaphore(%run_scoped3A : memref<!tpu.dma_semaphore, #tpu.memory_space<semaphore_mem>>) src(%dma_wait3A_88 : memref<2x80x64xi32, #tpu.memory_space<hbm>>) dst(%arg6 : memref<2x80x64xi32, #tpu.memory_space<vmem>>)
      tpu.yield
    }) : () -> ()
    %dma_start3A_34 = arith.constant 0 : i32
    %dma_start3A_35 = arith.constant 0 : i32
    %dma_start3A_36 = arith.constant 0 : i32
    %dma_start3A_37 = arith.constant 0 : i32
    %dma_start3A_38 = arith.constant 0 : i32
    %dma_start3A_39 = tpu.memref_slice %arg7[%dma_start3A_36, %dma_start3A_37, %dma_start3A_38] : memref<2x64x128xf32, #tpu.memory_space<vmem>> -> memref<1x64x128xf32, #tpu.memory_space<vmem>>
    %dma_start3A_40 = tpu.memref_squeeze %dma_start3A_39 : memref<1x64x128xf32, #tpu.memory_space<vmem>> -> memref<64x128xf32, #tpu.memory_space<vmem>>
    %dma_start3A_41 = arith.constant 0 : i32
    %dma_start3A_42 = tpu.memref_slice %arg6[%dma_start3A_34, %dma_start3A_35, %dma_start3A_41] : memref<2x80x64xi32, #tpu.memory_space<vmem>> -> memref<1x1x64xi32, #tpu.memory_space<vmem>>
    %dma_start3A_43 = tpu.memref_squeeze %dma_start3A_42 : memref<1x1x64xi32, #tpu.memory_space<vmem>> -> memref<64xi32, #tpu.memory_space<vmem>>
    %dma_start3A_44 = arith.constant 0 : i32
    %dma_start3A_45 = arith.constant 0 : i32
    %dma_start3A_46 = tpu.memref_slice %arg2[%dma_start3A_44, %dma_start3A_45] : memref<10112x128xf32, #tpu.memory_space<hbm>> -> memref<10112x128xf32, #tpu.memory_space<hbm>>
    tpu.enqueue_indirect_dma source(%dma_start3A_46 : memref<10112x128xf32, #tpu.memory_space<hbm>>) target(%dma_start3A_40 : memref<64x128xf32, #tpu.memory_space<vmem>>) offsets(%dma_start3A_43 : memref<64xi32, #tpu.memory_space<vmem>>) semaphore(%arg8 : memref<!tpu.dma_semaphore, #tpu.memory_space<semaphore_mem>>)
    %dma_start3A_47 = arith.constant 0 : i32
    %dma_start3A_48 = arith.constant 1 : i32
    %dma_start3A_49 = arith.constant 1 : i32
    %dma_start3A_50 = arith.constant 0 : i32
    %dma_start3A_51 = arith.constant 0 : i32
    %dma_start3A_52 = tpu.memref_slice %arg7[%dma_start3A_49, %dma_start3A_50, %dma_start3A_51] : memref<2x64x128xf32, #tpu.memory_space<vmem>> -> memref<1x64x128xf32, #tpu.memory_space<vmem>>
    %dma_start3A_53 = tpu.memref_squeeze %dma_start3A_52 : memref<1x64x128xf32, #tpu.memory_space<vmem>> -> memref<64x128xf32, #tpu.memory_space<vmem>>
    %dma_start3A_54 = arith.constant 0 : i32
    %dma_start3A_55 = tpu.memref_slice %arg6[%dma_start3A_47, %dma_start3A_48, %dma_start3A_54] : memref<2x80x64xi32, #tpu.memory_space<vmem>> -> memref<1x1x64xi32, #tpu.memory_space<vmem>>
    %dma_start3A_56 = tpu.memref_squeeze %dma_start3A_55 : memref<1x1x64xi32, #tpu.memory_space<vmem>> -> memref<64xi32, #tpu.memory_space<vmem>>
    %dma_start3A_57 = arith.constant 0 : i32
    %dma_start3A_58 = arith.constant 0 : i32
    %dma_start3A_59 = tpu.memref_slice %arg2[%dma_start3A_57, %dma_start3A_58] : memref<10112x128xf32, #tpu.memory_space<hbm>> -> memref<10112x128xf32, #tpu.memory_space<hbm>>
    tpu.enqueue_indirect_dma source(%dma_start3A_59 : memref<10112x128xf32, #tpu.memory_space<hbm>>) target(%dma_start3A_53 : memref<64x128xf32, #tpu.memory_space<vmem>>) offsets(%dma_start3A_56 : memref<64xi32, #tpu.memory_space<vmem>>) semaphore(%arg9 : memref<!tpu.dma_semaphore, #tpu.memory_space<semaphore_mem>>)
    %scan3A_60 = arith.constant 0 : i32
    %scan3A_61 = arith.constant 40 : i32
    %scan3A_62 = arith.addi %scan3A_60, %scan3A_61 : i32
    %scan3A_63 = arith.constant 1 : i32
    scf.for %scan3A_70 = %scan3A_60 to %scan3A_62 step %scan3A_63  : i32 {
      %mul3A_71 = arith.constant 2 : i32
      %mul3A_72 = arith.muli %scan3A_70, %mul3A_71 : i32
      %add3A_73 = arith.constant 0 : i32
      %add3A_74 = arith.addi %add3A_73, %mul3A_72 : i32
      %add3A_75 = arith.constant 0 : i32
      %add3A_76 = arith.addi %add3A_74, %add3A_75 : i32
      %dma_wait3A = arith.constant 0 : i32
      %dma_wait3A_77 = arith.constant 0 : i32
      %dma_wait3A_78 = arith.constant 0 : i32
      %dma_wait3A_79 = arith.constant 0 : i32
      %dma_wait3A_80 = tpu.memref_slice %arg7[%dma_wait3A_77, %dma_wait3A_78, %dma_wait3A_79] : memref<2x64x128xf32, #tpu.memory_space<vmem>> -> memref<1x64x128xf32, #tpu.memory_space<vmem>>
      %dma_wait3A_81 = tpu.memref_squeeze %dma_wait3A_80 : memref<1x64x128xf32, #tpu.memory_space<vmem>> -> memref<64x128xf32, #tpu.memory_space<vmem>>
      %dma_wait3A_82 = arith.constant 0 : i32
      %dma_wait3A_83 = tpu.memref_slice %arg6[%dma_wait3A, %add3A_76, %dma_wait3A_82] : memref<2x80x64xi32, #tpu.memory_space<vmem>> -> memref<1x1x64xi32, #tpu.memory_space<vmem>>
      %dma_wait3A_84 = tpu.memref_squeeze %dma_wait3A_83 : memref<1x1x64xi32, #tpu.memory_space<vmem>> -> memref<64xi32, #tpu.memory_space<vmem>>
      %dma_wait3A_85 = arith.constant 0 : i32
      %dma_wait3A_86 = arith.constant 0 : i32
      %dma_wait3A_87 = tpu.memref_slice %arg2[%dma_wait3A_85, %dma_wait3A_86] : memref<10112x128xf32, #tpu.memory_space<hbm>> -> memref<10112x128xf32, #tpu.memory_space<hbm>>
      tpu.wait_indirect_dma semaphore(%arg8 : memref<!tpu.dma_semaphore, #tpu.memory_space<semaphore_mem>>) src(%dma_wait3A_87 : memref<10112x128xf32, #tpu.memory_space<hbm>>) dst(%dma_wait3A_81 : memref<64x128xf32, #tpu.memory_space<vmem>>)
      %add3A_88 = arith.constant 0 : i32
      %add3A_89 = arith.addi %add3A_74, %add3A_88 : i32
      %run_scoped3A = arith.constant 0 : i32
      %run_scoped3A_90 = arith.constant 1 : i32
      "tpu.region"() ({
        %run_scoped3A_124 = tpu.sem_alloc : memref<!tpu.dma_semaphore, #tpu.memory_space<semaphore_mem>>
        %dma_start3A_125 = arith.constant 0 : i32
        %dma_start3A_126 = arith.constant 0 : i32
        %dma_start3A_127 = tpu.memref_slice %arg7[%run_scoped3A, %dma_start3A_125, %dma_start3A_126] : memref<2x64x128xf32, #tpu.memory_space<vmem>> -> memref<1x64x128xf32, #tpu.memory_space<vmem>>
        %dma_start3A_128 = tpu.memref_squeeze %dma_start3A_127 : memref<1x64x128xf32, #tpu.memory_space<vmem>> -> memref<64x128xf32, #tpu.memory_space<vmem>>
        %dma_start3A_129 = arith.constant 0 : i32
        %dma_start3A_130 = tpu.memref_slice %arg6[%run_scoped3A_90, %add3A_89, %dma_start3A_129] : memref<2x80x64xi32, #tpu.memory_space<vmem>> -> memref<1x1x64xi32, #tpu.memory_space<vmem>>
        %dma_start3A_131 = tpu.memref_squeeze %dma_start3A_130 : memref<1x1x64xi32, #tpu.memory_space<vmem>> -> memref<64xi32, #tpu.memory_space<vmem>>
        %dma_start3A_132 = arith.constant 0 : i32
        %dma_start3A_133 = arith.constant 0 : i32
        %dma_start3A_134 = tpu.memref_slice %arg5[%dma_start3A_132, %dma_start3A_133] : memref<10112x128xf32, #tpu.memory_space<vmem_shared>> -> memref<10112x128xf32, #tpu.memory_space<vmem_shared>>
        tpu.enqueue_indirect_dma source(%dma_start3A_128 : memref<64x128xf32, #tpu.memory_space<vmem>>) target(%dma_start3A_134 : memref<10112x128xf32, #tpu.memory_space<vmem_shared>>) offsets(%dma_start3A_131 : memref<64xi32, #tpu.memory_space<vmem>>) semaphore(%run_scoped3A_124 : memref<!tpu.dma_semaphore, #tpu.memory_space<semaphore_mem>>) {add = true}
        %dma_wait3A_135 = arith.constant 0 : i32
        %dma_wait3A_136 = arith.constant 0 : i32
        %dma_wait3A_137 = tpu.memref_slice %arg7[%run_scoped3A, %dma_wait3A_135, %dma_wait3A_136] : memref<2x64x128xf32, #tpu.memory_space<vmem>> -> memref<1x64x128xf32, #tpu.memory_space<vmem>>
        %dma_wait3A_138 = tpu.memref_squeeze %dma_wait3A_137 : memref<1x64x128xf32, #tpu.memory_space<vmem>> -> memref<64x128xf32, #tpu.memory_space<vmem>>
        %dma_wait3A_139 = arith.constant 0 : i32
        %dma_wait3A_140 = tpu.memref_slice %arg6[%run_scoped3A_90, %add3A_89, %dma_wait3A_139] : memref<2x80x64xi32, #tpu.memory_space<vmem>> -> memref<1x1x64xi32, #tpu.memory_space<vmem>>
        %dma_wait3A_141 = tpu.memref_squeeze %dma_wait3A_140 : memref<1x1x64xi32, #tpu.memory_space<vmem>> -> memref<64xi32, #tpu.memory_space<vmem>>
        %dma_wait3A_142 = arith.constant 0 : i32
        %dma_wait3A_143 = arith.constant 0 : i32
        %dma_wait3A_144 = tpu.memref_slice %arg5[%dma_wait3A_142, %dma_wait3A_143] : memref<10112x128xf32, #tpu.memory_space<vmem_shared>> -> memref<10112x128xf32, #tpu.memory_space<vmem_shared>>
        tpu.wait_indirect_dma semaphore(%run_scoped3A_124 : memref<!tpu.dma_semaphore, #tpu.memory_space<semaphore_mem>>) src(%dma_wait3A_138 : memref<64x128xf32, #tpu.memory_space<vmem>>) dst(%dma_wait3A_144 : memref<10112x128xf32, #tpu.memory_space<vmem_shared>>)
        tpu.yield
      }) : () -> ()
      %add3A_91 = arith.constant 0 : i32
      %add3A_92 = arith.addi %add3A_74, %add3A_91 : i32
      %add3A_93 = arith.constant 2 : i32
      %add3A_94 = arith.addi %add3A_92, %add3A_93 : i32
      %lt3A = arith.constant 80 : i32
      %lt3A_95 = arith.cmpi slt, %add3A_94, %lt3A : i32
      %convert_element_type3A = arith.extui %lt3A_95 : i1 to i32
      %cond3A = arith.constant 0 : i32
      %cond3A_96 = arith.cmpi ne, %convert_element_type3A, %cond3A : i32
      scf.if %cond3A_96 {
        %add3A_124 = arith.constant 0 : i32
        %add3A_125 = arith.addi %add3A_74, %add3A_124 : i32
        %add3A_126 = arith.constant 2 : i32
        %add3A_127 = arith.addi %add3A_125, %add3A_126 : i32
        %dma_start3A_128 = arith.constant 0 : i32
        %dma_start3A_129 = arith.constant 0 : i32
        %dma_start3A_130 = arith.constant 0 : i32
        %dma_start3A_131 = arith.constant 0 : i32
        %dma_start3A_132 = tpu.memref_slice %arg7[%dma_start3A_129, %dma_start3A_130, %dma_start3A_131] : memref<2x64x128xf32, #tpu.memory_space<vmem>> -> memref<1x64x128xf32, #tpu.memory_space<vmem>>
        %dma_start3A_133 = tpu.memref_squeeze %dma_start3A_132 : memref<1x64x128xf32, #tpu.memory_space<vmem>> -> memref<64x128xf32, #tpu.memory_space<vmem>>
        %dma_start3A_134 = arith.constant 0 : i32
        %dma_start3A_135 = tpu.memref_slice %arg6[%dma_start3A_128, %add3A_127, %dma_start3A_134] : memref<2x80x64xi32, #tpu.memory_space<vmem>> -> memref<1x1x64xi32, #tpu.memory_space<vmem>>
        %dma_start3A_136 = tpu.memref_squeeze %dma_start3A_135 : memref<1x1x64xi32, #tpu.memory_space<vmem>> -> memref<64xi32, #tpu.memory_space<vmem>>
        %dma_start3A_137 = arith.constant 0 : i32
        %dma_start3A_138 = arith.constant 0 : i32
        %dma_start3A_139 = tpu.memref_slice %arg2[%dma_start3A_137, %dma_start3A_138] : memref<10112x128xf32, #tpu.memory_space<hbm>> -> memref<10112x128xf32, #tpu.memory_space<hbm>>
        tpu.enqueue_indirect_dma source(%dma_start3A_139 : memref<10112x128xf32, #tpu.memory_space<hbm>>) target(%dma_start3A_133 : memref<64x128xf32, #tpu.memory_space<vmem>>) offsets(%dma_start3A_136 : memref<64xi32, #tpu.memory_space<vmem>>) semaphore(%arg8 : memref<!tpu.dma_semaphore, #tpu.memory_space<semaphore_mem>>)
      } else {
      }
      %add3A_97 = arith.constant 1 : i32
      %add3A_98 = arith.addi %add3A_74, %add3A_97 : i32
      %dma_wait3A_99 = arith.constant 0 : i32
      %dma_wait3A_100 = arith.constant 1 : i32
      %dma_wait3A_101 = arith.constant 0 : i32
      %dma_wait3A_102 = arith.constant 0 : i32
      %dma_wait3A_103 = tpu.memref_slice %arg7[%dma_wait3A_100, %dma_wait3A_101, %dma_wait3A_102] : memref<2x64x128xf32, #tpu.memory_space<vmem>> -> memref<1x64x128xf32, #tpu.memory_space<vmem>>
      %dma_wait3A_104 = tpu.memref_squeeze %dma_wait3A_103 : memref<1x64x128xf32, #tpu.memory_space<vmem>> -> memref<64x128xf32, #tpu.memory_space<vmem>>
      %dma_wait3A_105 = arith.constant 0 : i32
      %dma_wait3A_106 = tpu.memref_slice %arg6[%dma_wait3A_99, %add3A_98, %dma_wait3A_105] : memref<2x80x64xi32, #tpu.memory_space<vmem>> -> memref<1x1x64xi32, #tpu.memory_space<vmem>>
      %dma_wait3A_107 = tpu.memref_squeeze %dma_wait3A_106 : memref<1x1x64xi32, #tpu.memory_space<vmem>> -> memref<64xi32, #tpu.memory_space<vmem>>
      %dma_wait3A_108 = arith.constant 0 : i32
      %dma_wait3A_109 = arith.constant 0 : i32
      %dma_wait3A_110 = tpu.memref_slice %arg2[%dma_wait3A_108, %dma_wait3A_109] : memref<10112x128xf32, #tpu.memory_space<hbm>> -> memref<10112x128xf32, #tpu.memory_space<hbm>>
      tpu.wait_indirect_dma semaphore(%arg9 : memref<!tpu.dma_semaphore, #tpu.memory_space<semaphore_mem>>) src(%dma_wait3A_110 : memref<10112x128xf32, #tpu.memory_space<hbm>>) dst(%dma_wait3A_104 : memref<64x128xf32, #tpu.memory_space<vmem>>)
      %add3A_111 = arith.constant 1 : i32
      %add3A_112 = arith.addi %add3A_74, %add3A_111 : i32
      %run_scoped3A_113 = arith.constant 1 : i32
      %run_scoped3A_114 = arith.constant 1 : i32
      "tpu.region"() ({
        %run_scoped3A_124 = tpu.sem_alloc : memref<!tpu.dma_semaphore, #tpu.memory_space<semaphore_mem>>
        %dma_start3A_125 = arith.constant 0 : i32
        %dma_start3A_126 = arith.constant 0 : i32
        %dma_start3A_127 = tpu.memref_slice %arg7[%run_scoped3A_113, %dma_start3A_125, %dma_start3A_126] : memref<2x64x128xf32, #tpu.memory_space<vmem>> -> memref<1x64x128xf32, #tpu.memory_space<vmem>>
        %dma_start3A_128 = tpu.memref_squeeze %dma_start3A_127 : memref<1x64x128xf32, #tpu.memory_space<vmem>> -> memref<64x128xf32, #tpu.memory_space<vmem>>
        %dma_start3A_129 = arith.constant 0 : i32
        %dma_start3A_130 = tpu.memref_slice %arg6[%run_scoped3A_114, %add3A_112, %dma_start3A_129] : memref<2x80x64xi32, #tpu.memory_space<vmem>> -> memref<1x1x64xi32, #tpu.memory_space<vmem>>
        %dma_start3A_131 = tpu.memref_squeeze %dma_start3A_130 : memref<1x1x64xi32, #tpu.memory_space<vmem>> -> memref<64xi32, #tpu.memory_space<vmem>>
        %dma_start3A_132 = arith.constant 0 : i32
        %dma_start3A_133 = arith.constant 0 : i32
        %dma_start3A_134 = tpu.memref_slice %arg5[%dma_start3A_132, %dma_start3A_133] : memref<10112x128xf32, #tpu.memory_space<vmem_shared>> -> memref<10112x128xf32, #tpu.memory_space<vmem_shared>>
        tpu.enqueue_indirect_dma source(%dma_start3A_128 : memref<64x128xf32, #tpu.memory_space<vmem>>) target(%dma_start3A_134 : memref<10112x128xf32, #tpu.memory_space<vmem_shared>>) offsets(%dma_start3A_131 : memref<64xi32, #tpu.memory_space<vmem>>) semaphore(%run_scoped3A_124 : memref<!tpu.dma_semaphore, #tpu.memory_space<semaphore_mem>>) {add = true}
        %dma_wait3A_135 = arith.constant 0 : i32
        %dma_wait3A_136 = arith.constant 0 : i32
        %dma_wait3A_137 = tpu.memref_slice %arg7[%run_scoped3A_113, %dma_wait3A_135, %dma_wait3A_136] : memref<2x64x128xf32, #tpu.memory_space<vmem>> -> memref<1x64x128xf32, #tpu.memory_space<vmem>>
        %dma_wait3A_138 = tpu.memref_squeeze %dma_wait3A_137 : memref<1x64x128xf32, #tpu.memory_space<vmem>> -> memref<64x128xf32, #tpu.memory_space<vmem>>
        %dma_wait3A_139 = arith.constant 0 : i32
        %dma_wait3A_140 = tpu.memref_slice %arg6[%run_scoped3A_114, %add3A_112, %dma_wait3A_139] : memref<2x80x64xi32, #tpu.memory_space<vmem>> -> memref<1x1x64xi32, #tpu.memory_space<vmem>>
        %dma_wait3A_141 = tpu.memref_squeeze %dma_wait3A_140 : memref<1x1x64xi32, #tpu.memory_space<vmem>> -> memref<64xi32, #tpu.memory_space<vmem>>
        %dma_wait3A_142 = arith.constant 0 : i32
        %dma_wait3A_143 = arith.constant 0 : i32
        %dma_wait3A_144 = tpu.memref_slice %arg5[%dma_wait3A_142, %dma_wait3A_143] : memref<10112x128xf32, #tpu.memory_space<vmem_shared>> -> memref<10112x128xf32, #tpu.memory_space<vmem_shared>>
        tpu.wait_indirect_dma semaphore(%run_scoped3A_124 : memref<!tpu.dma_semaphore, #tpu.memory_space<semaphore_mem>>) src(%dma_wait3A_138 : memref<64x128xf32, #tpu.memory_space<vmem>>) dst(%dma_wait3A_144 : memref<10112x128xf32, #tpu.memory_space<vmem_shared>>)
        tpu.yield
      }) : () -> ()
      %add3A_115 = arith.constant 1 : i32
      %add3A_116 = arith.addi %add3A_74, %add3A_115 : i32
      %add3A_117 = arith.constant 2 : i32
      %add3A_118 = arith.addi %add3A_116, %add3A_117 : i32
      %lt3A_119 = arith.constant 80 : i32
      %lt3A_120 = arith.cmpi slt, %add3A_118, %lt3A_119 : i32
      %convert_element_type3A_121 = arith.extui %lt3A_120 : i1 to i32
      %cond3A_122 = arith.constant 0 : i32
      %cond3A_123 = arith.cmpi ne, %convert_element_type3A_121, %cond3A_122 : i32
      scf.if %cond3A_123 {
        %add3A_124 = arith.constant 1 : i32
        %add3A_125 = arith.addi %add3A_74, %add3A_124 : i32
        %add3A_126 = arith.constant 2 : i32
        %add3A_127 = arith.addi %add3A_125, %add3A_126 : i32
        %dma_start3A_128 = arith.constant 0 : i32
        %dma_start3A_129 = arith.constant 1 : i32
        %dma_start3A_130 = arith.constant 0 : i32
        %dma_start3A_131 = arith.constant 0 : i32
        %dma_start3A_132 = tpu.memref_slice %arg7[%dma_start3A_129, %dma_start3A_130, %dma_start3A_131] : memref<2x64x128xf32, #tpu.memory_space<vmem>> -> memref<1x64x128xf32, #tpu.memory_space<vmem>>
        %dma_start3A_133 = tpu.memref_squeeze %dma_start3A_132 : memref<1x64x128xf32, #tpu.memory_space<vmem>> -> memref<64x128xf32, #tpu.memory_space<vmem>>
        %dma_start3A_134 = arith.constant 0 : i32
        %dma_start3A_135 = tpu.memref_slice %arg6[%dma_start3A_128, %add3A_127, %dma_start3A_134] : memref<2x80x64xi32, #tpu.memory_space<vmem>> -> memref<1x1x64xi32, #tpu.memory_space<vmem>>
        %dma_start3A_136 = tpu.memref_squeeze %dma_start3A_135 : memref<1x1x64xi32, #tpu.memory_space<vmem>> -> memref<64xi32, #tpu.memory_space<vmem>>
        %dma_start3A_137 = arith.constant 0 : i32
        %dma_start3A_138 = arith.constant 0 : i32
        %dma_start3A_139 = tpu.memref_slice %arg2[%dma_start3A_137, %dma_start3A_138] : memref<10112x128xf32, #tpu.memory_space<hbm>> -> memref<10112x128xf32, #tpu.memory_space<hbm>>
        tpu.enqueue_indirect_dma source(%dma_start3A_139 : memref<10112x128xf32, #tpu.memory_space<hbm>>) target(%dma_start3A_133 : memref<64x128xf32, #tpu.memory_space<vmem>>) offsets(%dma_start3A_136 : memref<64xi32, #tpu.memory_space<vmem>>) semaphore(%arg9 : memref<!tpu.dma_semaphore, #tpu.memory_space<semaphore_mem>>)
      } else {
      }
    }
    %scan3A_64 = arith.constant 40 : i32
    %barrier3A_65 = arith.constant 0 : index
    tpu.barrier barrier_id(%barrier3A_65)
    %mul3A_66 = arith.constant 632 : i32
    %mul3A_67 = arith.muli %arg1, %mul3A_66 : i32
    %mul3A_68 = arith.constant 632 : i32
    %mul3A_69 = arith.muli %arg1, %mul3A_68 : i32
    "tpu.region"() ({
      %run_scoped3A = tpu.sem_alloc : memref<!tpu.dma_semaphore, #tpu.memory_space<semaphore_mem>>
      %dma_start3A_70 = arith.constant 0 : i32
      %dma_start3A_71 = tpu.memref_slice %arg4[%arg0, %mul3A_69, %dma_start3A_70] : memref<2x10112x128xf32, #tpu.memory_space<hbm>> -> memref<1x632x128xf32, #tpu.memory_space<hbm>>
      %dma_start3A_72 = tpu.memref_squeeze %dma_start3A_71 : memref<1x632x128xf32, #tpu.memory_space<hbm>> -> memref<632x128xf32, #tpu.memory_space<hbm>>
      %dma_start3A_73 = arith.constant 0 : i32
      %dma_start3A_74 = tpu.memref_slice %arg5[%mul3A_67, %dma_start3A_73] : memref<10112x128xf32, #tpu.memory_space<vmem_shared>> -> memref<632x128xf32, #tpu.memory_space<vmem_shared>>
      tpu.enqueue_dma source(%dma_start3A_74 : memref<632x128xf32, #tpu.memory_space<vmem_shared>>) target(%dma_start3A_72 : memref<632x128xf32, #tpu.memory_space<hbm>>) target_semaphore(%run_scoped3A : memref<!tpu.dma_semaphore, #tpu.memory_space<semaphore_mem>>)
      %dma_wait3A = arith.constant 0 : i32
      %dma_wait3A_75 = tpu.memref_slice %arg4[%arg0, %mul3A_69, %dma_wait3A] : memref<2x10112x128xf32, #tpu.memory_space<hbm>> -> memref<1x632x128xf32, #tpu.memory_space<hbm>>
      %dma_wait3A_76 = tpu.memref_squeeze %dma_wait3A_75 : memref<1x632x128xf32, #tpu.memory_space<hbm>> -> memref<632x128xf32, #tpu.memory_space<hbm>>
      %dma_wait3A_77 = arith.constant 0 : i32
      %dma_wait3A_78 = tpu.memref_slice %arg5[%mul3A_67, %dma_wait3A_77] : memref<10112x128xf32, #tpu.memory_space<vmem_shared>> -> memref<632x128xf32, #tpu.memory_space<vmem_shared>>
      tpu.wait_dma2 semaphore(%run_scoped3A : memref<!tpu.dma_semaphore, #tpu.memory_space<semaphore_mem>>) src(%dma_wait3A_78 : memref<632x128xf32, #tpu.memory_space<vmem_shared>>) dst(%dma_wait3A_76 : memref<632x128xf32, #tpu.memory_space<hbm>>)
      tpu.yield
    }) : () -> ()
    return
  }
}

#map = affine_map<(d0, d1) -> (0, 0, 0, 0)>
#map1 = affine_map<(d0, d1) -> (0, 0)>
#map2 = affine_map<(d0, d1) -> (0, 0, 0)>
module attributes {stable_mosaic.version = 14 : i64} {
  func.func @k(%arg0: i32, %arg1: i32, %arg2: memref<32x2x160x64xi32, #tpu.memory_space<hbm>>, %arg3: memref<10112x128xf32, #tpu.memory_space<hbm>>, %arg4: memref<64x128xf32, #tpu.memory_space<hbm>>, %arg5: memref<2x10112x128xf32, #tpu.memory_space<hbm>>, %arg6: memref<10112x128xf32, #tpu.memory_space<vmem_shared>>, %arg7: memref<160x64xi32, #tpu.memory_space<vmem>>, %arg8: memref<64x128xf32, #tpu.memory_space<vmem>>) attributes {dimension_semantics = [#tpu.dimension_semantics<core_parallel>, #tpu.dimension_semantics<subcore_parallel>], iteration_bounds = array<i64: 2, 16>, scalar_prefetch = 0 : i64, scratch_operands = 3 : i64, tpu.core_type = #tpu.core_type<sc_vector_subcore>, window_params = [{transform_indices = #map}, {transform_indices = #map1}, {transform_indices = #map1}, {transform_indices = #map2}]} {
    %mul3A = arith.constant 16 : i32
    %mul3A_0 = arith.muli %arg0, %mul3A : i32
    %add3A = arith.addi %mul3A_0, %arg1 : i32
    %run_scoped3A = arith.constant 1 : i32
    "tpu.region"() ({
      %run_scoped3A_14 = tpu.sem_alloc : memref<!tpu.dma_semaphore, #tpu.memory_space<semaphore_mem>>
      %dma_start3A = arith.constant 0 : i32
      %dma_start3A_15 = arith.constant 0 : i32
      %dma_start3A_16 = tpu.memref_slice %arg2[%add3A, %run_scoped3A, %dma_start3A, %dma_start3A_15] : memref<32x2x160x64xi32, #tpu.memory_space<hbm>> -> memref<1x1x160x64xi32, #tpu.memory_space<hbm>>
      %dma_start3A_17 = tpu.memref_squeeze %dma_start3A_16 : memref<1x1x160x64xi32, #tpu.memory_space<hbm>> -> memref<160x64xi32, #tpu.memory_space<hbm>>
      %dma_start3A_18 = arith.constant 0 : i32
      %dma_start3A_19 = arith.constant 0 : i32
      %dma_start3A_20 = tpu.memref_slice %arg2[%add3A, %run_scoped3A, %dma_start3A_18, %dma_start3A_19] : memref<32x2x160x64xi32, #tpu.memory_space<hbm>> -> memref<1x1x160x64xi32, #tpu.memory_space<hbm>>
      %dma_start3A_21 = tpu.memref_squeeze %dma_start3A_20 : memref<1x1x160x64xi32, #tpu.memory_space<hbm>> -> memref<160x64xi32, #tpu.memory_space<hbm>>
      tpu.enqueue_dma source(%dma_start3A_21 : memref<160x64xi32, #tpu.memory_space<hbm>>) target(%arg7 : memref<160x64xi32, #tpu.memory_space<vmem>>) target_semaphore(%run_scoped3A_14 : memref<!tpu.dma_semaphore, #tpu.memory_space<semaphore_mem>>)
      %dma_wait3A = arith.constant 0 : i32
      %dma_wait3A_22 = arith.constant 0 : i32
      %dma_wait3A_23 = tpu.memref_slice %arg2[%add3A, %run_scoped3A, %dma_wait3A, %dma_wait3A_22] : memref<32x2x160x64xi32, #tpu.memory_space<hbm>> -> memref<1x1x160x64xi32, #tpu.memory_space<hbm>>
      %dma_wait3A_24 = tpu.memref_squeeze %dma_wait3A_23 : memref<1x1x160x64xi32, #tpu.memory_space<hbm>> -> memref<160x64xi32, #tpu.memory_space<hbm>>
      %dma_wait3A_25 = arith.constant 0 : i32
      %dma_wait3A_26 = arith.constant 0 : i32
      %dma_wait3A_27 = tpu.memref_slice %arg2[%add3A, %run_scoped3A, %dma_wait3A_25, %dma_wait3A_26] : memref<32x2x160x64xi32, #tpu.memory_space<hbm>> -> memref<1x1x160x64xi32, #tpu.memory_space<hbm>>
      %dma_wait3A_28 = tpu.memref_squeeze %dma_wait3A_27 : memref<1x1x160x64xi32, #tpu.memory_space<hbm>> -> memref<160x64xi32, #tpu.memory_space<hbm>>
      tpu.wait_dma2 semaphore(%run_scoped3A_14 : memref<!tpu.dma_semaphore, #tpu.memory_space<semaphore_mem>>) src(%dma_wait3A_28 : memref<160x64xi32, #tpu.memory_space<hbm>>) dst(%arg7 : memref<160x64xi32, #tpu.memory_space<vmem>>)
      tpu.yield
    }) : () -> ()
    %mul3A_1 = arith.constant 632 : i32
    %mul3A_2 = arith.muli %arg1, %mul3A_1 : i32
    %mul3A_3 = arith.constant 632 : i32
    %mul3A_4 = arith.muli %arg1, %mul3A_3 : i32
    "tpu.region"() ({
      %run_scoped3A_14 = tpu.sem_alloc : memref<!tpu.dma_semaphore, #tpu.memory_space<semaphore_mem>>
      %dma_start3A = arith.constant 0 : i32
      %dma_start3A_15 = tpu.memref_slice %arg6[%mul3A_4, %dma_start3A] : memref<10112x128xf32, #tpu.memory_space<vmem_shared>> -> memref<632x128xf32, #tpu.memory_space<vmem_shared>>
      %dma_start3A_16 = arith.constant 0 : i32
      %dma_start3A_17 = tpu.memref_slice %arg3[%mul3A_2, %dma_start3A_16] : memref<10112x128xf32, #tpu.memory_space<hbm>> -> memref<632x128xf32, #tpu.memory_space<hbm>>
      tpu.enqueue_dma source(%dma_start3A_17 : memref<632x128xf32, #tpu.memory_space<hbm>>) target(%dma_start3A_15 : memref<632x128xf32, #tpu.memory_space<vmem_shared>>) target_semaphore(%run_scoped3A_14 : memref<!tpu.dma_semaphore, #tpu.memory_space<semaphore_mem>>)
      %dma_wait3A = arith.constant 0 : i32
      %dma_wait3A_18 = tpu.memref_slice %arg6[%mul3A_4, %dma_wait3A] : memref<10112x128xf32, #tpu.memory_space<vmem_shared>> -> memref<632x128xf32, #tpu.memory_space<vmem_shared>>
      %dma_wait3A_19 = arith.constant 0 : i32
      %dma_wait3A_20 = tpu.memref_slice %arg3[%mul3A_2, %dma_wait3A_19] : memref<10112x128xf32, #tpu.memory_space<hbm>> -> memref<632x128xf32, #tpu.memory_space<hbm>>
      tpu.wait_dma2 semaphore(%run_scoped3A_14 : memref<!tpu.dma_semaphore, #tpu.memory_space<semaphore_mem>>) src(%dma_wait3A_20 : memref<632x128xf32, #tpu.memory_space<hbm>>) dst(%dma_wait3A_18 : memref<632x128xf32, #tpu.memory_space<vmem_shared>>)
      tpu.yield
    }) : () -> ()
    "tpu.region"() ({
      %run_scoped3A_14 = tpu.sem_alloc : memref<!tpu.dma_semaphore, #tpu.memory_space<semaphore_mem>>
      tpu.enqueue_dma source(%arg4 : memref<64x128xf32, #tpu.memory_space<hbm>>) target(%arg8 : memref<64x128xf32, #tpu.memory_space<vmem>>) target_semaphore(%run_scoped3A_14 : memref<!tpu.dma_semaphore, #tpu.memory_space<semaphore_mem>>)
      tpu.wait_dma2 semaphore(%run_scoped3A_14 : memref<!tpu.dma_semaphore, #tpu.memory_space<semaphore_mem>>) src(%arg4 : memref<64x128xf32, #tpu.memory_space<hbm>>) dst(%arg8 : memref<64x128xf32, #tpu.memory_space<vmem>>)
      tpu.yield
    }) : () -> ()
    %barrier3A = arith.constant 0 : index
    tpu.barrier barrier_id(%barrier3A)
    %scan3A = arith.constant 0 : i32
    %scan3A_5 = arith.constant 160 : i32
    %scan3A_6 = arith.addi %scan3A, %scan3A_5 : i32
    %scan3A_7 = arith.constant 1 : i32
    scf.for %scan3A_14 = %scan3A to %scan3A_6 step %scan3A_7  : i32 {
      %mul3A_15 = arith.constant 1 : i32
      %mul3A_16 = arith.muli %scan3A_14, %mul3A_15 : i32
      %add3A_17 = arith.constant 0 : i32
      %add3A_18 = arith.addi %add3A_17, %mul3A_16 : i32
      "tpu.region"() ({
        %run_scoped3A_19 = tpu.sem_alloc : memref<!tpu.dma_semaphore, #tpu.memory_space<semaphore_mem>>
        %dma_start3A = arith.constant 0 : i32
        %dma_start3A_20 = tpu.memref_slice %arg7[%add3A_18, %dma_start3A] : memref<160x64xi32, #tpu.memory_space<vmem>> -> memref<1x64xi32, #tpu.memory_space<vmem>>
        %dma_start3A_21 = tpu.memref_squeeze %dma_start3A_20 : memref<1x64xi32, #tpu.memory_space<vmem>> -> memref<64xi32, #tpu.memory_space<vmem>>
        %dma_start3A_22 = arith.constant 0 : i32
        %dma_start3A_23 = arith.constant 0 : i32
        %dma_start3A_24 = tpu.memref_slice %arg6[%dma_start3A_22, %dma_start3A_23] : memref<10112x128xf32, #tpu.memory_space<vmem_shared>> -> memref<10112x128xf32, #tpu.memory_space<vmem_shared>>
        tpu.enqueue_indirect_dma source(%arg8 : memref<64x128xf32, #tpu.memory_space<vmem>>) target(%dma_start3A_24 : memref<10112x128xf32, #tpu.memory_space<vmem_shared>>) offsets(%dma_start3A_21 : memref<64xi32, #tpu.memory_space<vmem>>) semaphore(%run_scoped3A_19 : memref<!tpu.dma_semaphore, #tpu.memory_space<semaphore_mem>>) {add = true}
        %dma_wait3A = arith.constant 0 : i32
        %dma_wait3A_25 = tpu.memref_slice %arg7[%add3A_18, %dma_wait3A] : memref<160x64xi32, #tpu.memory_space<vmem>> -> memref<1x64xi32, #tpu.memory_space<vmem>>
        %dma_wait3A_26 = tpu.memref_squeeze %dma_wait3A_25 : memref<1x64xi32, #tpu.memory_space<vmem>> -> memref<64xi32, #tpu.memory_space<vmem>>
        %dma_wait3A_27 = arith.constant 0 : i32
        %dma_wait3A_28 = arith.constant 0 : i32
        %dma_wait3A_29 = tpu.memref_slice %arg6[%dma_wait3A_27, %dma_wait3A_28] : memref<10112x128xf32, #tpu.memory_space<vmem_shared>> -> memref<10112x128xf32, #tpu.memory_space<vmem_shared>>
        tpu.wait_indirect_dma semaphore(%run_scoped3A_19 : memref<!tpu.dma_semaphore, #tpu.memory_space<semaphore_mem>>) src(%arg8 : memref<64x128xf32, #tpu.memory_space<vmem>>) dst(%dma_wait3A_29 : memref<10112x128xf32, #tpu.memory_space<vmem_shared>>)
        tpu.yield
      }) : () -> ()
    }
    %scan3A_8 = arith.constant 160 : i32
    %barrier3A_9 = arith.constant 0 : index
    tpu.barrier barrier_id(%barrier3A_9)
    %mul3A_10 = arith.constant 632 : i32
    %mul3A_11 = arith.muli %arg1, %mul3A_10 : i32
    %mul3A_12 = arith.constant 632 : i32
    %mul3A_13 = arith.muli %arg1, %mul3A_12 : i32
    "tpu.region"() ({
      %run_scoped3A_14 = tpu.sem_alloc : memref<!tpu.dma_semaphore, #tpu.memory_space<semaphore_mem>>
      %dma_start3A = arith.constant 0 : i32
      %dma_start3A_15 = tpu.memref_slice %arg5[%arg0, %mul3A_13, %dma_start3A] : memref<2x10112x128xf32, #tpu.memory_space<hbm>> -> memref<1x632x128xf32, #tpu.memory_space<hbm>>
      %dma_start3A_16 = tpu.memref_squeeze %dma_start3A_15 : memref<1x632x128xf32, #tpu.memory_space<hbm>> -> memref<632x128xf32, #tpu.memory_space<hbm>>
      %dma_start3A_17 = arith.constant 0 : i32
      %dma_start3A_18 = tpu.memref_slice %arg6[%mul3A_11, %dma_start3A_17] : memref<10112x128xf32, #tpu.memory_space<vmem_shared>> -> memref<632x128xf32, #tpu.memory_space<vmem_shared>>
      tpu.enqueue_dma source(%dma_start3A_18 : memref<632x128xf32, #tpu.memory_space<vmem_shared>>) target(%dma_start3A_16 : memref<632x128xf32, #tpu.memory_space<hbm>>) target_semaphore(%run_scoped3A_14 : memref<!tpu.dma_semaphore, #tpu.memory_space<semaphore_mem>>)
      %dma_wait3A = arith.constant 0 : i32
      %dma_wait3A_19 = tpu.memref_slice %arg5[%arg0, %mul3A_13, %dma_wait3A] : memref<2x10112x128xf32, #tpu.memory_space<hbm>> -> memref<1x632x128xf32, #tpu.memory_space<hbm>>
      %dma_wait3A_20 = tpu.memref_squeeze %dma_wait3A_19 : memref<1x632x128xf32, #tpu.memory_space<hbm>> -> memref<632x128xf32, #tpu.memory_space<hbm>>
      %dma_wait3A_21 = arith.constant 0 : i32
      %dma_wait3A_22 = tpu.memref_slice %arg6[%mul3A_11, %dma_wait3A_21] : memref<10112x128xf32, #tpu.memory_space<vmem_shared>> -> memref<632x128xf32, #tpu.memory_space<vmem_shared>>
      tpu.wait_dma2 semaphore(%run_scoped3A_14 : memref<!tpu.dma_semaphore, #tpu.memory_space<semaphore_mem>>) src(%dma_wait3A_22 : memref<632x128xf32, #tpu.memory_space<vmem_shared>>) dst(%dma_wait3A_20 : memref<632x128xf32, #tpu.memory_space<hbm>>)
      tpu.yield
    }) : () -> ()
    return
  }
}

#map = affine_map<(d0, d1) -> (0, 0)>
#map1 = affine_map<(d0, d1) -> (0, 0, 0, 0)>
#map2 = affine_map<(d0, d1) -> (0, 0, 0)>
module attributes {stable_mosaic.version = 14 : i64} {
  func.func @k(%arg0: i32, %arg1: i32, %arg2: memref<10112x128xf32, #tpu.memory_space<hbm>>, %arg3: memref<32x2x160x64xi32, #tpu.memory_space<hbm>>, %arg4: memref<2x10112x128xf32, #tpu.memory_space<hbm>>, %arg5: memref<10112x128xf32, #tpu.memory_space<vmem_shared>>, %arg6: memref<2x80x64xi32, #tpu.memory_space<vmem>>, %arg7: memref<2x64x128xf32, #tpu.memory_space<vmem>>, %arg8: memref<!tpu.dma_semaphore, #tpu.memory_space<semaphore_mem>>, %arg9: memref<!tpu.dma_semaphore, #tpu.memory_space<semaphore_mem>>) attributes {dimension_semantics = [#tpu.dimension_semantics<core_parallel>, #tpu.dimension_semantics<subcore_parallel>], iteration_bounds = array<i64: 2, 16>, scalar_prefetch = 0 : i64, scratch_operands = 5 : i64, tpu.core_type = #tpu.core_type<sc_vector_subcore>, window_params = [{transform_indices = #map}, {transform_indices = #map1}, {transform_indices = #map2}]} {
    %mul3A = arith.constant 16 : i32
    %mul3A_0 = arith.muli %arg0, %mul3A : i32
    %add3A = arith.addi %mul3A_0, %arg1 : i32
    %mul3A_1 = arith.constant 632 : i32
    %mul3A_2 = arith.muli %arg1, %mul3A_1 : i32
    %mul3A_3 = arith.constant 632 : i32
    %mul3A_4 = arith.muli %arg1, %mul3A_3 : i32
    "tpu.region"() ({
      %run_scoped3A = tpu.sem_alloc : memref<!tpu.dma_semaphore, #tpu.memory_space<semaphore_mem>>
      %dma_start3A_70 = arith.constant 0 : i32
      %dma_start3A_71 = tpu.memref_slice %arg5[%mul3A_4, %dma_start3A_70] : memref<10112x128xf32, #tpu.memory_space<vmem_shared>> -> memref<632x128xf32, #tpu.memory_space<vmem_shared>>
      %dma_start3A_72 = arith.constant 0 : i32
      %dma_start3A_73 = tpu.memref_slice %arg2[%mul3A_2, %dma_start3A_72] : memref<10112x128xf32, #tpu.memory_space<hbm>> -> memref<632x128xf32, #tpu.memory_space<hbm>>
      tpu.enqueue_dma source(%dma_start3A_73 : memref<632x128xf32, #tpu.memory_space<hbm>>) target(%dma_start3A_71 : memref<632x128xf32, #tpu.memory_space<vmem_shared>>) target_semaphore(%run_scoped3A : memref<!tpu.dma_semaphore, #tpu.memory_space<semaphore_mem>>)
      %dma_wait3A = arith.constant 0 : i32
      %dma_wait3A_74 = tpu.memref_slice %arg5[%mul3A_4, %dma_wait3A] : memref<10112x128xf32, #tpu.memory_space<vmem_shared>> -> memref<632x128xf32, #tpu.memory_space<vmem_shared>>
      %dma_wait3A_75 = arith.constant 0 : i32
      %dma_wait3A_76 = tpu.memref_slice %arg2[%mul3A_2, %dma_wait3A_75] : memref<10112x128xf32, #tpu.memory_space<hbm>> -> memref<632x128xf32, #tpu.memory_space<hbm>>
      tpu.wait_dma2 semaphore(%run_scoped3A : memref<!tpu.dma_semaphore, #tpu.memory_space<semaphore_mem>>) src(%dma_wait3A_76 : memref<632x128xf32, #tpu.memory_space<hbm>>) dst(%dma_wait3A_74 : memref<632x128xf32, #tpu.memory_space<vmem_shared>>)
      tpu.yield
    }) : () -> ()
    %barrier3A = arith.constant 0 : index
    tpu.barrier barrier_id(%barrier3A)
    "tpu.region"() ({
      %run_scoped3A = tpu.sem_alloc : memref<!tpu.dma_semaphore, #tpu.memory_space<semaphore_mem>>
      %dma_start3A_70 = arith.constant 0 : i32
      %dma_start3A_71 = arith.constant 0 : i32
      %dma_start3A_72 = arith.constant 0 : i32
      %dma_start3A_73 = tpu.memref_slice %arg3[%add3A, %dma_start3A_70, %dma_start3A_71, %dma_start3A_72] : memref<32x2x160x64xi32, #tpu.memory_space<hbm>> -> memref<1x2x80x64xi32, #tpu.memory_space<hbm>>
      %dma_start3A_74 = tpu.memref_squeeze %dma_start3A_73 : memref<1x2x80x64xi32, #tpu.memory_space<hbm>> -> memref<2x80x64xi32, #tpu.memory_space<hbm>>
      %dma_start3A_75 = arith.constant 0 : i32
      %dma_start3A_76 = arith.constant 0 : i32
      %dma_start3A_77 = arith.constant 0 : i32
      %dma_start3A_78 = tpu.memref_slice %arg3[%add3A, %dma_start3A_75, %dma_start3A_76, %dma_start3A_77] : memref<32x2x160x64xi32, #tpu.memory_space<hbm>> -> memref<1x2x80x64xi32, #tpu.memory_space<hbm>>
      %dma_start3A_79 = tpu.memref_squeeze %dma_start3A_78 : memref<1x2x80x64xi32, #tpu.memory_space<hbm>> -> memref<2x80x64xi32, #tpu.memory_space<hbm>>
      tpu.enqueue_dma source(%dma_start3A_79 : memref<2x80x64xi32, #tpu.memory_space<hbm>>) target(%arg6 : memref<2x80x64xi32, #tpu.memory_space<vmem>>) target_semaphore(%run_scoped3A : memref<!tpu.dma_semaphore, #tpu.memory_space<semaphore_mem>>)
      %dma_wait3A = arith.constant 0 : i32
      %dma_wait3A_80 = arith.constant 0 : i32
      %dma_wait3A_81 = arith.constant 0 : i32
      %dma_wait3A_82 = tpu.memref_slice %arg3[%add3A, %dma_wait3A, %dma_wait3A_80, %dma_wait3A_81] : memref<32x2x160x64xi32, #tpu.memory_space<hbm>> -> memref<1x2x80x64xi32, #tpu.memory_space<hbm>>
      %dma_wait3A_83 = tpu.memref_squeeze %dma_wait3A_82 : memref<1x2x80x64xi32, #tpu.memory_space<hbm>> -> memref<2x80x64xi32, #tpu.memory_space<hbm>>
      %dma_wait3A_84 = arith.constant 0 : i32
      %dma_wait3A_85 = arith.constant 0 : i32
      %dma_wait3A_86 = arith.constant 0 : i32
      %dma_wait3A_87 = tpu.memref_slice %arg3[%add3A, %dma_wait3A_84, %dma_wait3A_85, %dma_wait3A_86] : memref<32x2x160x64xi32, #tpu.memory_space<hbm>> -> memref<1x2x80x64xi32, #tpu.memory_space<hbm>>
      %dma_wait3A_88 = tpu.memref_squeeze %dma_wait3A_87 : memref<1x2x80x64xi32, #tpu.memory_space<hbm>> -> memref<2x80x64xi32, #tpu.memory_space<hbm>>
      tpu.wait_dma2 semaphore(%run_scoped3A : memref<!tpu.dma_semaphore, #tpu.memory_space<semaphore_mem>>) src(%dma_wait3A_88 : memref<2x80x64xi32, #tpu.memory_space<hbm>>) dst(%arg6 : memref<2x80x64xi32, #tpu.memory_space<vmem>>)
      tpu.yield
    }) : () -> ()
    %dma_start3A = arith.constant 0 : i32
    %dma_start3A_5 = arith.constant 0 : i32
    %dma_start3A_6 = arith.constant 0 : i32
    %dma_start3A_7 = arith.constant 0 : i32
    %dma_start3A_8 = arith.constant 0 : i32
    %dma_start3A_9 = tpu.memref_slice %arg7[%dma_start3A_6, %dma_start3A_7, %dma_start3A_8] : memref<2x64x128xf32, #tpu.memory_space<vmem>> -> memref<1x64x128xf32, #tpu.memory_space<vmem>>
    %dma_start3A_10 = tpu.memref_squeeze %dma_start3A_9 : memref<1x64x128xf32, #tpu.memory_space<vmem>> -> memref<64x128xf32, #tpu.memory_space<vmem>>
    %dma_start3A_11 = arith.constant 0 : i32
    %dma_start3A_12 = tpu.memref_slice %arg6[%dma_start3A, %dma_start3A_5, %dma_start3A_11] : memref<2x80x64xi32, #tpu.memory_space<vmem>> -> memref<1x1x64xi32, #tpu.memory_space<vmem>>
    %dma_start3A_13 = tpu.memref_squeeze %dma_start3A_12 : memref<1x1x64xi32, #tpu.memory_space<vmem>> -> memref<64xi32, #tpu.memory_space<vmem>>
    %dma_start3A_14 = arith.constant 0 : i32
    %dma_start3A_15 = arith.constant 0 : i32
    %dma_start3A_16 = tpu.memref_slice %arg2[%dma_start3A_14, %dma_start3A_15] : memref<10112x128xf32, #tpu.memory_space<hbm>> -> memref<10112x128xf32, #tpu.memory_space<hbm>>
    tpu.enqueue_indirect_dma source(%dma_start3A_16 : memref<10112x128xf32, #tpu.memory_space<hbm>>) target(%dma_start3A_10 : memref<64x128xf32, #tpu.memory_space<vmem>>) offsets(%dma_start3A_13 : memref<64xi32, #tpu.memory_space<vmem>>) semaphore(%arg8 : memref<!tpu.dma_semaphore, #tpu.memory_space<semaphore_mem>>)
    %dma_start3A_17 = arith.constant 0 : i32
    %dma_start3A_18 = arith.constant 1 : i32
    %dma_start3A_19 = arith.constant 1 : i32
    %dma_start3A_20 = arith.constant 0 : i32
    %dma_start3A_21 = arith.constant 0 : i32
    %dma_start3A_22 = tpu.memref_slice %arg7[%dma_start3A_19, %dma_start3A_20, %dma_start3A_21] : memref<2x64x128xf32, #tpu.memory_space<vmem>> -> memref<1x64x128xf32, #tpu.memory_space<vmem>>
    %dma_start3A_23 = tpu.memref_squeeze %dma_start3A_22 : memref<1x64x128xf32, #tpu.memory_space<vmem>> -> memref<64x128xf32, #tpu.memory_space<vmem>>
    %dma_start3A_24 = arith.constant 0 : i32
    %dma_start3A_25 = tpu.memref_slice %arg6[%dma_start3A_17, %dma_start3A_18, %dma_start3A_24] : memref<2x80x64xi32, #tpu.memory_space<vmem>> -> memref<1x1x64xi32, #tpu.memory_space<vmem>>
    %dma_start3A_26 = tpu.memref_squeeze %dma_start3A_25 : memref<1x1x64xi32, #tpu.memory_space<vmem>> -> memref<64xi32, #tpu.memory_space<vmem>>
    %dma_start3A_27 = arith.constant 0 : i32
    %dma_start3A_28 = arith.constant 0 : i32
    %dma_start3A_29 = tpu.memref_slice %arg2[%dma_start3A_27, %dma_start3A_28] : memref<10112x128xf32, #tpu.memory_space<hbm>> -> memref<10112x128xf32, #tpu.memory_space<hbm>>
    tpu.enqueue_indirect_dma source(%dma_start3A_29 : memref<10112x128xf32, #tpu.memory_space<hbm>>) target(%dma_start3A_23 : memref<64x128xf32, #tpu.memory_space<vmem>>) offsets(%dma_start3A_26 : memref<64xi32, #tpu.memory_space<vmem>>) semaphore(%arg9 : memref<!tpu.dma_semaphore, #tpu.memory_space<semaphore_mem>>)
    %scan3A = arith.constant 0 : i32
    %scan3A_30 = arith.constant 40 : i32
    %scan3A_31 = arith.addi %scan3A, %scan3A_30 : i32
    %scan3A_32 = arith.constant 1 : i32
    scf.for %scan3A_70 = %scan3A to %scan3A_31 step %scan3A_32  : i32 {
      %mul3A_71 = arith.constant 2 : i32
      %mul3A_72 = arith.muli %scan3A_70, %mul3A_71 : i32
      %add3A_73 = arith.constant 0 : i32
      %add3A_74 = arith.addi %add3A_73, %mul3A_72 : i32
      %add3A_75 = arith.constant 0 : i32
      %add3A_76 = arith.addi %add3A_74, %add3A_75 : i32
      %dma_wait3A = arith.constant 0 : i32
      %dma_wait3A_77 = arith.constant 0 : i32
      %dma_wait3A_78 = arith.constant 0 : i32
      %dma_wait3A_79 = arith.constant 0 : i32
      %dma_wait3A_80 = tpu.memref_slice %arg7[%dma_wait3A_77, %dma_wait3A_78, %dma_wait3A_79] : memref<2x64x128xf32, #tpu.memory_space<vmem>> -> memref<1x64x128xf32, #tpu.memory_space<vmem>>
      %dma_wait3A_81 = tpu.memref_squeeze %dma_wait3A_80 : memref<1x64x128xf32, #tpu.memory_space<vmem>> -> memref<64x128xf32, #tpu.memory_space<vmem>>
      %dma_wait3A_82 = arith.constant 0 : i32
      %dma_wait3A_83 = tpu.memref_slice %arg6[%dma_wait3A, %add3A_76, %dma_wait3A_82] : memref<2x80x64xi32, #tpu.memory_space<vmem>> -> memref<1x1x64xi32, #tpu.memory_space<vmem>>
      %dma_wait3A_84 = tpu.memref_squeeze %dma_wait3A_83 : memref<1x1x64xi32, #tpu.memory_space<vmem>> -> memref<64xi32, #tpu.memory_space<vmem>>
      %dma_wait3A_85 = arith.constant 0 : i32
      %dma_wait3A_86 = arith.constant 0 : i32
      %dma_wait3A_87 = tpu.memref_slice %arg2[%dma_wait3A_85, %dma_wait3A_86] : memref<10112x128xf32, #tpu.memory_space<hbm>> -> memref<10112x128xf32, #tpu.memory_space<hbm>>
      tpu.wait_indirect_dma semaphore(%arg8 : memref<!tpu.dma_semaphore, #tpu.memory_space<semaphore_mem>>) src(%dma_wait3A_87 : memref<10112x128xf32, #tpu.memory_space<hbm>>) dst(%dma_wait3A_81 : memref<64x128xf32, #tpu.memory_space<vmem>>)
      %add3A_88 = arith.constant 0 : i32
      %add3A_89 = arith.addi %add3A_74, %add3A_88 : i32
      %run_scoped3A = arith.constant 0 : i32
      %run_scoped3A_90 = arith.constant 1 : i32
      "tpu.region"() ({
        %run_scoped3A_124 = tpu.sem_alloc : memref<!tpu.dma_semaphore, #tpu.memory_space<semaphore_mem>>
        %dma_start3A_125 = arith.constant 0 : i32
        %dma_start3A_126 = arith.constant 0 : i32
        %dma_start3A_127 = tpu.memref_slice %arg7[%run_scoped3A, %dma_start3A_125, %dma_start3A_126] : memref<2x64x128xf32, #tpu.memory_space<vmem>> -> memref<1x64x128xf32, #tpu.memory_space<vmem>>
        %dma_start3A_128 = tpu.memref_squeeze %dma_start3A_127 : memref<1x64x128xf32, #tpu.memory_space<vmem>> -> memref<64x128xf32, #tpu.memory_space<vmem>>
        %dma_start3A_129 = arith.constant 0 : i32
        %dma_start3A_130 = tpu.memref_slice %arg6[%run_scoped3A_90, %add3A_89, %dma_start3A_129] : memref<2x80x64xi32, #tpu.memory_space<vmem>> -> memref<1x1x64xi32, #tpu.memory_space<vmem>>
        %dma_start3A_131 = tpu.memref_squeeze %dma_start3A_130 : memref<1x1x64xi32, #tpu.memory_space<vmem>> -> memref<64xi32, #tpu.memory_space<vmem>>
        %dma_start3A_132 = arith.constant 0 : i32
        %dma_start3A_133 = arith.constant 0 : i32
        %dma_start3A_134 = tpu.memref_slice %arg5[%dma_start3A_132, %dma_start3A_133] : memref<10112x128xf32, #tpu.memory_space<vmem_shared>> -> memref<10112x128xf32, #tpu.memory_space<vmem_shared>>
        tpu.enqueue_indirect_dma source(%dma_start3A_128 : memref<64x128xf32, #tpu.memory_space<vmem>>) target(%dma_start3A_134 : memref<10112x128xf32, #tpu.memory_space<vmem_shared>>) offsets(%dma_start3A_131 : memref<64xi32, #tpu.memory_space<vmem>>) semaphore(%run_scoped3A_124 : memref<!tpu.dma_semaphore, #tpu.memory_space<semaphore_mem>>) {add = true}
        %dma_wait3A_135 = arith.constant 0 : i32
        %dma_wait3A_136 = arith.constant 0 : i32
        %dma_wait3A_137 = tpu.memref_slice %arg7[%run_scoped3A, %dma_wait3A_135, %dma_wait3A_136] : memref<2x64x128xf32, #tpu.memory_space<vmem>> -> memref<1x64x128xf32, #tpu.memory_space<vmem>>
        %dma_wait3A_138 = tpu.memref_squeeze %dma_wait3A_137 : memref<1x64x128xf32, #tpu.memory_space<vmem>> -> memref<64x128xf32, #tpu.memory_space<vmem>>
        %dma_wait3A_139 = arith.constant 0 : i32
        %dma_wait3A_140 = tpu.memref_slice %arg6[%run_scoped3A_90, %add3A_89, %dma_wait3A_139] : memref<2x80x64xi32, #tpu.memory_space<vmem>> -> memref<1x1x64xi32, #tpu.memory_space<vmem>>
        %dma_wait3A_141 = tpu.memref_squeeze %dma_wait3A_140 : memref<1x1x64xi32, #tpu.memory_space<vmem>> -> memref<64xi32, #tpu.memory_space<vmem>>
        %dma_wait3A_142 = arith.constant 0 : i32
        %dma_wait3A_143 = arith.constant 0 : i32
        %dma_wait3A_144 = tpu.memref_slice %arg5[%dma_wait3A_142, %dma_wait3A_143] : memref<10112x128xf32, #tpu.memory_space<vmem_shared>> -> memref<10112x128xf32, #tpu.memory_space<vmem_shared>>
        tpu.wait_indirect_dma semaphore(%run_scoped3A_124 : memref<!tpu.dma_semaphore, #tpu.memory_space<semaphore_mem>>) src(%dma_wait3A_138 : memref<64x128xf32, #tpu.memory_space<vmem>>) dst(%dma_wait3A_144 : memref<10112x128xf32, #tpu.memory_space<vmem_shared>>)
        tpu.yield
      }) : () -> ()
      %add3A_91 = arith.constant 0 : i32
      %add3A_92 = arith.addi %add3A_74, %add3A_91 : i32
      %add3A_93 = arith.constant 2 : i32
      %add3A_94 = arith.addi %add3A_92, %add3A_93 : i32
      %lt3A = arith.constant 80 : i32
      %lt3A_95 = arith.cmpi slt, %add3A_94, %lt3A : i32
      %convert_element_type3A = arith.extui %lt3A_95 : i1 to i32
      %cond3A = arith.constant 0 : i32
      %cond3A_96 = arith.cmpi ne, %convert_element_type3A, %cond3A : i32
      scf.if %cond3A_96 {
        %add3A_124 = arith.constant 0 : i32
        %add3A_125 = arith.addi %add3A_74, %add3A_124 : i32
        %add3A_126 = arith.constant 2 : i32
        %add3A_127 = arith.addi %add3A_125, %add3A_126 : i32
        %dma_start3A_128 = arith.constant 0 : i32
        %dma_start3A_129 = arith.constant 0 : i32
        %dma_start3A_130 = arith.constant 0 : i32
        %dma_start3A_131 = arith.constant 0 : i32
        %dma_start3A_132 = tpu.memref_slice %arg7[%dma_start3A_129, %dma_start3A_130, %dma_start3A_131] : memref<2x64x128xf32, #tpu.memory_space<vmem>> -> memref<1x64x128xf32, #tpu.memory_space<vmem>>
        %dma_start3A_133 = tpu.memref_squeeze %dma_start3A_132 : memref<1x64x128xf32, #tpu.memory_space<vmem>> -> memref<64x128xf32, #tpu.memory_space<vmem>>
        %dma_start3A_134 = arith.constant 0 : i32
        %dma_start3A_135 = tpu.memref_slice %arg6[%dma_start3A_128, %add3A_127, %dma_start3A_134] : memref<2x80x64xi32, #tpu.memory_space<vmem>> -> memref<1x1x64xi32, #tpu.memory_space<vmem>>
        %dma_start3A_136 = tpu.memref_squeeze %dma_start3A_135 : memref<1x1x64xi32, #tpu.memory_space<vmem>> -> memref<64xi32, #tpu.memory_space<vmem>>
        %dma_start3A_137 = arith.constant 0 : i32
        %dma_start3A_138 = arith.constant 0 : i32
        %dma_start3A_139 = tpu.memref_slice %arg2[%dma_start3A_137, %dma_start3A_138] : memref<10112x128xf32, #tpu.memory_space<hbm>> -> memref<10112x128xf32, #tpu.memory_space<hbm>>
        tpu.enqueue_indirect_dma source(%dma_start3A_139 : memref<10112x128xf32, #tpu.memory_space<hbm>>) target(%dma_start3A_133 : memref<64x128xf32, #tpu.memory_space<vmem>>) offsets(%dma_start3A_136 : memref<64xi32, #tpu.memory_space<vmem>>) semaphore(%arg8 : memref<!tpu.dma_semaphore, #tpu.memory_space<semaphore_mem>>)
      } else {
      }
      %add3A_97 = arith.constant 1 : i32
      %add3A_98 = arith.addi %add3A_74, %add3A_97 : i32
      %dma_wait3A_99 = arith.constant 0 : i32
      %dma_wait3A_100 = arith.constant 1 : i32
      %dma_wait3A_101 = arith.constant 0 : i32
      %dma_wait3A_102 = arith.constant 0 : i32
      %dma_wait3A_103 = tpu.memref_slice %arg7[%dma_wait3A_100, %dma_wait3A_101, %dma_wait3A_102] : memref<2x64x128xf32, #tpu.memory_space<vmem>> -> memref<1x64x128xf32, #tpu.memory_space<vmem>>
      %dma_wait3A_104 = tpu.memref_squeeze %dma_wait3A_103 : memref<1x64x128xf32, #tpu.memory_space<vmem>> -> memref<64x128xf32, #tpu.memory_space<vmem>>
      %dma_wait3A_105 = arith.constant 0 : i32
      %dma_wait3A_106 = tpu.memref_slice %arg6[%dma_wait3A_99, %add3A_98, %dma_wait3A_105] : memref<2x80x64xi32, #tpu.memory_space<vmem>> -> memref<1x1x64xi32, #tpu.memory_space<vmem>>
      %dma_wait3A_107 = tpu.memref_squeeze %dma_wait3A_106 : memref<1x1x64xi32, #tpu.memory_space<vmem>> -> memref<64xi32, #tpu.memory_space<vmem>>
      %dma_wait3A_108 = arith.constant 0 : i32
      %dma_wait3A_109 = arith.constant 0 : i32
      %dma_wait3A_110 = tpu.memref_slice %arg2[%dma_wait3A_108, %dma_wait3A_109] : memref<10112x128xf32, #tpu.memory_space<hbm>> -> memref<10112x128xf32, #tpu.memory_space<hbm>>
      tpu.wait_indirect_dma semaphore(%arg9 : memref<!tpu.dma_semaphore, #tpu.memory_space<semaphore_mem>>) src(%dma_wait3A_110 : memref<10112x128xf32, #tpu.memory_space<hbm>>) dst(%dma_wait3A_104 : memref<64x128xf32, #tpu.memory_space<vmem>>)
      %add3A_111 = arith.constant 1 : i32
      %add3A_112 = arith.addi %add3A_74, %add3A_111 : i32
      %run_scoped3A_113 = arith.constant 1 : i32
      %run_scoped3A_114 = arith.constant 1 : i32
      "tpu.region"() ({
        %run_scoped3A_124 = tpu.sem_alloc : memref<!tpu.dma_semaphore, #tpu.memory_space<semaphore_mem>>
        %dma_start3A_125 = arith.constant 0 : i32
        %dma_start3A_126 = arith.constant 0 : i32
        %dma_start3A_127 = tpu.memref_slice %arg7[%run_scoped3A_113, %dma_start3A_125, %dma_start3A_126] : memref<2x64x128xf32, #tpu.memory_space<vmem>> -> memref<1x64x128xf32, #tpu.memory_space<vmem>>
        %dma_start3A_128 = tpu.memref_squeeze %dma_start3A_127 : memref<1x64x128xf32, #tpu.memory_space<vmem>> -> memref<64x128xf32, #tpu.memory_space<vmem>>
        %dma_start3A_129 = arith.constant 0 : i32
        %dma_start3A_130 = tpu.memref_slice %arg6[%run_scoped3A_114, %add3A_112, %dma_start3A_129] : memref<2x80x64xi32, #tpu.memory_space<vmem>> -> memref<1x1x64xi32, #tpu.memory_space<vmem>>
        %dma_start3A_131 = tpu.memref_squeeze %dma_start3A_130 : memref<1x1x64xi32, #tpu.memory_space<vmem>> -> memref<64xi32, #tpu.memory_space<vmem>>
        %dma_start3A_132 = arith.constant 0 : i32
        %dma_start3A_133 = arith.constant 0 : i32
        %dma_start3A_134 = tpu.memref_slice %arg5[%dma_start3A_132, %dma_start3A_133] : memref<10112x128xf32, #tpu.memory_space<vmem_shared>> -> memref<10112x128xf32, #tpu.memory_space<vmem_shared>>
        tpu.enqueue_indirect_dma source(%dma_start3A_128 : memref<64x128xf32, #tpu.memory_space<vmem>>) target(%dma_start3A_134 : memref<10112x128xf32, #tpu.memory_space<vmem_shared>>) offsets(%dma_start3A_131 : memref<64xi32, #tpu.memory_space<vmem>>) semaphore(%run_scoped3A_124 : memref<!tpu.dma_semaphore, #tpu.memory_space<semaphore_mem>>) {add = true}
        %dma_wait3A_135 = arith.constant 0 : i32
        %dma_wait3A_136 = arith.constant 0 : i32
        %dma_wait3A_137 = tpu.memref_slice %arg7[%run_scoped3A_113, %dma_wait3A_135, %dma_wait3A_136] : memref<2x64x128xf32, #tpu.memory_space<vmem>> -> memref<1x64x128xf32, #tpu.memory_space<vmem>>
        %dma_wait3A_138 = tpu.memref_squeeze %dma_wait3A_137 : memref<1x64x128xf32, #tpu.memory_space<vmem>> -> memref<64x128xf32, #tpu.memory_space<vmem>>
        %dma_wait3A_139 = arith.constant 0 : i32
        %dma_wait3A_140 = tpu.memref_slice %arg6[%run_scoped3A_114, %add3A_112, %dma_wait3A_139] : memref<2x80x64xi32, #tpu.memory_space<vmem>> -> memref<1x1x64xi32, #tpu.memory_space<vmem>>
        %dma_wait3A_141 = tpu.memref_squeeze %dma_wait3A_140 : memref<1x1x64xi32, #tpu.memory_space<vmem>> -> memref<64xi32, #tpu.memory_space<vmem>>
        %dma_wait3A_142 = arith.constant 0 : i32
        %dma_wait3A_143 = arith.constant 0 : i32
        %dma_wait3A_144 = tpu.memref_slice %arg5[%dma_wait3A_142, %dma_wait3A_143] : memref<10112x128xf32, #tpu.memory_space<vmem_shared>> -> memref<10112x128xf32, #tpu.memory_space<vmem_shared>>
        tpu.wait_indirect_dma semaphore(%run_scoped3A_124 : memref<!tpu.dma_semaphore, #tpu.memory_space<semaphore_mem>>) src(%dma_wait3A_138 : memref<64x128xf32, #tpu.memory_space<vmem>>) dst(%dma_wait3A_144 : memref<10112x128xf32, #tpu.memory_space<vmem_shared>>)
        tpu.yield
      }) : () -> ()
      %add3A_115 = arith.constant 1 : i32
      %add3A_116 = arith.addi %add3A_74, %add3A_115 : i32
      %add3A_117 = arith.constant 2 : i32
      %add3A_118 = arith.addi %add3A_116, %add3A_117 : i32
      %lt3A_119 = arith.constant 80 : i32
      %lt3A_120 = arith.cmpi slt, %add3A_118, %lt3A_119 : i32
      %convert_element_type3A_121 = arith.extui %lt3A_120 : i1 to i32
      %cond3A_122 = arith.constant 0 : i32
      %cond3A_123 = arith.cmpi ne, %convert_element_type3A_121, %cond3A_122 : i32
      scf.if %cond3A_123 {
        %add3A_124 = arith.constant 1 : i32
        %add3A_125 = arith.addi %add3A_74, %add3A_124 : i32
        %add3A_126 = arith.constant 2 : i32
        %add3A_127 = arith.addi %add3A_125, %add3A_126 : i32
        %dma_start3A_128 = arith.constant 0 : i32
        %dma_start3A_129 = arith.constant 1 : i32
        %dma_start3A_130 = arith.constant 0 : i32
        %dma_start3A_131 = arith.constant 0 : i32
        %dma_start3A_132 = tpu.memref_slice %arg7[%dma_start3A_129, %dma_start3A_130, %dma_start3A_131] : memref<2x64x128xf32, #tpu.memory_space<vmem>> -> memref<1x64x128xf32, #tpu.memory_space<vmem>>
        %dma_start3A_133 = tpu.memref_squeeze %dma_start3A_132 : memref<1x64x128xf32, #tpu.memory_space<vmem>> -> memref<64x128xf32, #tpu.memory_space<vmem>>
        %dma_start3A_134 = arith.constant 0 : i32
        %dma_start3A_135 = tpu.memref_slice %arg6[%dma_start3A_128, %add3A_127, %dma_start3A_134] : memref<2x80x64xi32, #tpu.memory_space<vmem>> -> memref<1x1x64xi32, #tpu.memory_space<vmem>>
        %dma_start3A_136 = tpu.memref_squeeze %dma_start3A_135 : memref<1x1x64xi32, #tpu.memory_space<vmem>> -> memref<64xi32, #tpu.memory_space<vmem>>
        %dma_start3A_137 = arith.constant 0 : i32
        %dma_start3A_138 = arith.constant 0 : i32
        %dma_start3A_139 = tpu.memref_slice %arg2[%dma_start3A_137, %dma_start3A_138] : memref<10112x128xf32, #tpu.memory_space<hbm>> -> memref<10112x128xf32, #tpu.memory_space<hbm>>
        tpu.enqueue_indirect_dma source(%dma_start3A_139 : memref<10112x128xf32, #tpu.memory_space<hbm>>) target(%dma_start3A_133 : memref<64x128xf32, #tpu.memory_space<vmem>>) offsets(%dma_start3A_136 : memref<64xi32, #tpu.memory_space<vmem>>) semaphore(%arg9 : memref<!tpu.dma_semaphore, #tpu.memory_space<semaphore_mem>>)
      } else {
      }
    }
    %scan3A_33 = arith.constant 40 : i32
    "tpu.region"() ({
      %run_scoped3A = tpu.sem_alloc : memref<!tpu.dma_semaphore, #tpu.memory_space<semaphore_mem>>
      %dma_start3A_70 = arith.constant 0 : i32
      %dma_start3A_71 = arith.constant 80 : i32
      %dma_start3A_72 = arith.constant 0 : i32
      %dma_start3A_73 = tpu.memref_slice %arg3[%add3A, %dma_start3A_70, %dma_start3A_71, %dma_start3A_72] : memref<32x2x160x64xi32, #tpu.memory_space<hbm>> -> memref<1x2x80x64xi32, #tpu.memory_space<hbm>>
      %dma_start3A_74 = tpu.memref_squeeze %dma_start3A_73 : memref<1x2x80x64xi32, #tpu.memory_space<hbm>> -> memref<2x80x64xi32, #tpu.memory_space<hbm>>
      %dma_start3A_75 = arith.constant 0 : i32
      %dma_start3A_76 = arith.constant 80 : i32
      %dma_start3A_77 = arith.constant 0 : i32
      %dma_start3A_78 = tpu.memref_slice %arg3[%add3A, %dma_start3A_75, %dma_start3A_76, %dma_start3A_77] : memref<32x2x160x64xi32, #tpu.memory_space<hbm>> -> memref<1x2x80x64xi32, #tpu.memory_space<hbm>>
      %dma_start3A_79 = tpu.memref_squeeze %dma_start3A_78 : memref<1x2x80x64xi32, #tpu.memory_space<hbm>> -> memref<2x80x64xi32, #tpu.memory_space<hbm>>
      tpu.enqueue_dma source(%dma_start3A_79 : memref<2x80x64xi32, #tpu.memory_space<hbm>>) target(%arg6 : memref<2x80x64xi32, #tpu.memory_space<vmem>>) target_semaphore(%run_scoped3A : memref<!tpu.dma_semaphore, #tpu.memory_space<semaphore_mem>>)
      %dma_wait3A = arith.constant 0 : i32
      %dma_wait3A_80 = arith.constant 80 : i32
      %dma_wait3A_81 = arith.constant 0 : i32
      %dma_wait3A_82 = tpu.memref_slice %arg3[%add3A, %dma_wait3A, %dma_wait3A_80, %dma_wait3A_81] : memref<32x2x160x64xi32, #tpu.memory_space<hbm>> -> memref<1x2x80x64xi32, #tpu.memory_space<hbm>>
      %dma_wait3A_83 = tpu.memref_squeeze %dma_wait3A_82 : memref<1x2x80x64xi32, #tpu.memory_space<hbm>> -> memref<2x80x64xi32, #tpu.memory_space<hbm>>
      %dma_wait3A_84 = arith.constant 0 : i32
      %dma_wait3A_85 = arith.constant 80 : i32
      %dma_wait3A_86 = arith.constant 0 : i32
      %dma_wait3A_87 = tpu.memref_slice %arg3[%add3A, %dma_wait3A_84, %dma_wait3A_85, %dma_wait3A_86] : memref<32x2x160x64xi32, #tpu.memory_space<hbm>> -> memref<1x2x80x64xi32, #tpu.memory_space<hbm>>
      %dma_wait3A_88 = tpu.memref_squeeze %dma_wait3A_87 : memref<1x2x80x64xi32, #tpu.memory_space<hbm>> -> memref<2x80x64xi32, #tpu.memory_space<hbm>>
      tpu.wait_dma2 semaphore(%run_scoped3A : memref<!tpu.dma_semaphore, #tpu.memory_space<semaphore_mem>>) src(%dma_wait3A_88 : memref<2x80x64xi32, #tpu.memory_space<hbm>>) dst(%arg6 : memref<2x80x64xi32, #tpu.memory_space<vmem>>)
      tpu.yield
    }) : () -> ()
    %dma_start3A_34 = arith.constant 0 : i32
    %dma_start3A_35 = arith.constant 0 : i32
    %dma_start3A_36 = arith.constant 0 : i32
    %dma_start3A_37 = arith.constant 0 : i32
    %dma_start3A_38 = arith.constant 0 : i32
    %dma_start3A_39 = tpu.memref_slice %arg7[%dma_start3A_36, %dma_start3A_37, %dma_start3A_38] : memref<2x64x128xf32, #tpu.memory_space<vmem>> -> memref<1x64x128xf32, #tpu.memory_space<vmem>>
    %dma_start3A_40 = tpu.memref_squeeze %dma_start3A_39 : memref<1x64x128xf32, #tpu.memory_space<vmem>> -> memref<64x128xf32, #tpu.memory_space<vmem>>
    %dma_start3A_41 = arith.constant 0 : i32
    %dma_start3A_42 = tpu.memref_slice %arg6[%dma_start3A_34, %dma_start3A_35, %dma_start3A_41] : memref<2x80x64xi32, #tpu.memory_space<vmem>> -> memref<1x1x64xi32, #tpu.memory_space<vmem>>
    %dma_start3A_43 = tpu.memref_squeeze %dma_start3A_42 : memref<1x1x64xi32, #tpu.memory_space<vmem>> -> memref<64xi32, #tpu.memory_space<vmem>>
    %dma_start3A_44 = arith.constant 0 : i32
    %dma_start3A_45 = arith.constant 0 : i32
    %dma_start3A_46 = tpu.memref_slice %arg2[%dma_start3A_44, %dma_start3A_45] : memref<10112x128xf32, #tpu.memory_space<hbm>> -> memref<10112x128xf32, #tpu.memory_space<hbm>>
    tpu.enqueue_indirect_dma source(%dma_start3A_46 : memref<10112x128xf32, #tpu.memory_space<hbm>>) target(%dma_start3A_40 : memref<64x128xf32, #tpu.memory_space<vmem>>) offsets(%dma_start3A_43 : memref<64xi32, #tpu.memory_space<vmem>>) semaphore(%arg8 : memref<!tpu.dma_semaphore, #tpu.memory_space<semaphore_mem>>)
    %dma_start3A_47 = arith.constant 0 : i32
    %dma_start3A_48 = arith.constant 1 : i32
    %dma_start3A_49 = arith.constant 1 : i32
    %dma_start3A_50 = arith.constant 0 : i32
    %dma_start3A_51 = arith.constant 0 : i32
    %dma_start3A_52 = tpu.memref_slice %arg7[%dma_start3A_49, %dma_start3A_50, %dma_start3A_51] : memref<2x64x128xf32, #tpu.memory_space<vmem>> -> memref<1x64x128xf32, #tpu.memory_space<vmem>>
    %dma_start3A_53 = tpu.memref_squeeze %dma_start3A_52 : memref<1x64x128xf32, #tpu.memory_space<vmem>> -> memref<64x128xf32, #tpu.memory_space<vmem>>
    %dma_start3A_54 = arith.constant 0 : i32
    %dma_start3A_55 = tpu.memref_slice %arg6[%dma_start3A_47, %dma_start3A_48, %dma_start3A_54] : memref<2x80x64xi32, #tpu.memory_space<vmem>> -> memref<1x1x64xi32, #tpu.memory_space<vmem>>
    %dma_start3A_56 = tpu.memref_squeeze %dma_start3A_55 : memref<1x1x64xi32, #tpu.memory_space<vmem>> -> memref<64xi32, #tpu.memory_space<vmem>>
    %dma_start3A_57 = arith.constant 0 : i32
    %dma_start3A_58 = arith.constant 0 : i32
    %dma_start3A_59 = tpu.memref_slice %arg2[%dma_start3A_57, %dma_start3A_58] : memref<10112x128xf32, #tpu.memory_space<hbm>> -> memref<10112x128xf32, #tpu.memory_space<hbm>>
    tpu.enqueue_indirect_dma source(%dma_start3A_59 : memref<10112x128xf32, #tpu.memory_space<hbm>>) target(%dma_start3A_53 : memref<64x128xf32, #tpu.memory_space<vmem>>) offsets(%dma_start3A_56 : memref<64xi32, #tpu.memory_space<vmem>>) semaphore(%arg9 : memref<!tpu.dma_semaphore, #tpu.memory_space<semaphore_mem>>)
    %scan3A_60 = arith.constant 0 : i32
    %scan3A_61 = arith.constant 40 : i32
    %scan3A_62 = arith.addi %scan3A_60, %scan3A_61 : i32
    %scan3A_63 = arith.constant 1 : i32
    scf.for %scan3A_70 = %scan3A_60 to %scan3A_62 step %scan3A_63  : i32 {
      %mul3A_71 = arith.constant 2 : i32
      %mul3A_72 = arith.muli %scan3A_70, %mul3A_71 : i32
      %add3A_73 = arith.constant 0 : i32
      %add3A_74 = arith.addi %add3A_73, %mul3A_72 : i32
      %add3A_75 = arith.constant 0 : i32
      %add3A_76 = arith.addi %add3A_74, %add3A_75 : i32
      %dma_wait3A = arith.constant 0 : i32
      %dma_wait3A_77 = arith.constant 0 : i32
      %dma_wait3A_78 = arith.constant 0 : i32
      %dma_wait3A_79 = arith.constant 0 : i32
      %dma_wait3A_80 = tpu.memref_slice %arg7[%dma_wait3A_77, %dma_wait3A_78, %dma_wait3A_79] : memref<2x64x128xf32, #tpu.memory_space<vmem>> -> memref<1x64x128xf32, #tpu.memory_space<vmem>>
      %dma_wait3A_81 = tpu.memref_squeeze %dma_wait3A_80 : memref<1x64x128xf32, #tpu.memory_space<vmem>> -> memref<64x128xf32, #tpu.memory_space<vmem>>
      %dma_wait3A_82 = arith.constant 0 : i32
      %dma_wait3A_83 = tpu.memref_slice %arg6[%dma_wait3A, %add3A_76, %dma_wait3A_82] : memref<2x80x64xi32, #tpu.memory_space<vmem>> -> memref<1x1x64xi32, #tpu.memory_space<vmem>>
      %dma_wait3A_84 = tpu.memref_squeeze %dma_wait3A_83 : memref<1x1x64xi32, #tpu.memory_space<vmem>> -> memref<64xi32, #tpu.memory_space<vmem>>
      %dma_wait3A_85 = arith.constant 0 : i32
      %dma_wait3A_86 = arith.constant 0 : i32
      %dma_wait3A_87 = tpu.memref_slice %arg2[%dma_wait3A_85, %dma_wait3A_86] : memref<10112x128xf32, #tpu.memory_space<hbm>> -> memref<10112x128xf32, #tpu.memory_space<hbm>>
      tpu.wait_indirect_dma semaphore(%arg8 : memref<!tpu.dma_semaphore, #tpu.memory_space<semaphore_mem>>) src(%dma_wait3A_87 : memref<10112x128xf32, #tpu.memory_space<hbm>>) dst(%dma_wait3A_81 : memref<64x128xf32, #tpu.memory_space<vmem>>)
      %add3A_88 = arith.constant 0 : i32
      %add3A_89 = arith.addi %add3A_74, %add3A_88 : i32
      %run_scoped3A = arith.constant 0 : i32
      %run_scoped3A_90 = arith.constant 1 : i32
      "tpu.region"() ({
        %run_scoped3A_124 = tpu.sem_alloc : memref<!tpu.dma_semaphore, #tpu.memory_space<semaphore_mem>>
        %dma_start3A_125 = arith.constant 0 : i32
        %dma_start3A_126 = arith.constant 0 : i32
        %dma_start3A_127 = tpu.memref_slice %arg7[%run_scoped3A, %dma_start3A_125, %dma_start3A_126] : memref<2x64x128xf32, #tpu.memory_space<vmem>> -> memref<1x64x128xf32, #tpu.memory_space<vmem>>
        %dma_start3A_128 = tpu.memref_squeeze %dma_start3A_127 : memref<1x64x128xf32, #tpu.memory_space<vmem>> -> memref<64x128xf32, #tpu.memory_space<vmem>>
        %dma_start3A_129 = arith.constant 0 : i32
        %dma_start3A_130 = tpu.memref_slice %arg6[%run_scoped3A_90, %add3A_89, %dma_start3A_129] : memref<2x80x64xi32, #tpu.memory_space<vmem>> -> memref<1x1x64xi32, #tpu.memory_space<vmem>>
        %dma_start3A_131 = tpu.memref_squeeze %dma_start3A_130 : memref<1x1x64xi32, #tpu.memory_space<vmem>> -> memref<64xi32, #tpu.memory_space<vmem>>
        %dma_start3A_132 = arith.constant 0 : i32
        %dma_start3A_133 = arith.constant 0 : i32
        %dma_start3A_134 = tpu.memref_slice %arg5[%dma_start3A_132, %dma_start3A_133] : memref<10112x128xf32, #tpu.memory_space<vmem_shared>> -> memref<10112x128xf32, #tpu.memory_space<vmem_shared>>
        tpu.enqueue_indirect_dma source(%dma_start3A_128 : memref<64x128xf32, #tpu.memory_space<vmem>>) target(%dma_start3A_134 : memref<10112x128xf32, #tpu.memory_space<vmem_shared>>) offsets(%dma_start3A_131 : memref<64xi32, #tpu.memory_space<vmem>>) semaphore(%run_scoped3A_124 : memref<!tpu.dma_semaphore, #tpu.memory_space<semaphore_mem>>) {add = true}
        %dma_wait3A_135 = arith.constant 0 : i32
        %dma_wait3A_136 = arith.constant 0 : i32
        %dma_wait3A_137 = tpu.memref_slice %arg7[%run_scoped3A, %dma_wait3A_135, %dma_wait3A_136] : memref<2x64x128xf32, #tpu.memory_space<vmem>> -> memref<1x64x128xf32, #tpu.memory_space<vmem>>
        %dma_wait3A_138 = tpu.memref_squeeze %dma_wait3A_137 : memref<1x64x128xf32, #tpu.memory_space<vmem>> -> memref<64x128xf32, #tpu.memory_space<vmem>>
        %dma_wait3A_139 = arith.constant 0 : i32
        %dma_wait3A_140 = tpu.memref_slice %arg6[%run_scoped3A_90, %add3A_89, %dma_wait3A_139] : memref<2x80x64xi32, #tpu.memory_space<vmem>> -> memref<1x1x64xi32, #tpu.memory_space<vmem>>
        %dma_wait3A_141 = tpu.memref_squeeze %dma_wait3A_140 : memref<1x1x64xi32, #tpu.memory_space<vmem>> -> memref<64xi32, #tpu.memory_space<vmem>>
        %dma_wait3A_142 = arith.constant 0 : i32
        %dma_wait3A_143 = arith.constant 0 : i32
        %dma_wait3A_144 = tpu.memref_slice %arg5[%dma_wait3A_142, %dma_wait3A_143] : memref<10112x128xf32, #tpu.memory_space<vmem_shared>> -> memref<10112x128xf32, #tpu.memory_space<vmem_shared>>
        tpu.wait_indirect_dma semaphore(%run_scoped3A_124 : memref<!tpu.dma_semaphore, #tpu.memory_space<semaphore_mem>>) src(%dma_wait3A_138 : memref<64x128xf32, #tpu.memory_space<vmem>>) dst(%dma_wait3A_144 : memref<10112x128xf32, #tpu.memory_space<vmem_shared>>)
        tpu.yield
      }) : () -> ()
      %add3A_91 = arith.constant 0 : i32
      %add3A_92 = arith.addi %add3A_74, %add3A_91 : i32
      %add3A_93 = arith.constant 2 : i32
      %add3A_94 = arith.addi %add3A_92, %add3A_93 : i32
      %lt3A = arith.constant 80 : i32
      %lt3A_95 = arith.cmpi slt, %add3A_94, %lt3A : i32
      %convert_element_type3A = arith.extui %lt3A_95 : i1 to i32
      %cond3A = arith.constant 0 : i32
      %cond3A_96 = arith.cmpi ne, %convert_element_type3A, %cond3A : i32
      scf.if %cond3A_96 {
        %add3A_124 = arith.constant 0 : i32
        %add3A_125 = arith.addi %add3A_74, %add3A_124 : i32
        %add3A_126 = arith.constant 2 : i32
        %add3A_127 = arith.addi %add3A_125, %add3A_126 : i32
        %dma_start3A_128 = arith.constant 0 : i32
        %dma_start3A_129 = arith.constant 0 : i32
        %dma_start3A_130 = arith.constant 0 : i32
        %dma_start3A_131 = arith.constant 0 : i32
        %dma_start3A_132 = tpu.memref_slice %arg7[%dma_start3A_129, %dma_start3A_130, %dma_start3A_131] : memref<2x64x128xf32, #tpu.memory_space<vmem>> -> memref<1x64x128xf32, #tpu.memory_space<vmem>>
        %dma_start3A_133 = tpu.memref_squeeze %dma_start3A_132 : memref<1x64x128xf32, #tpu.memory_space<vmem>> -> memref<64x128xf32, #tpu.memory_space<vmem>>
        %dma_start3A_134 = arith.constant 0 : i32
        %dma_start3A_135 = tpu.memref_slice %arg6[%dma_start3A_128, %add3A_127, %dma_start3A_134] : memref<2x80x64xi32, #tpu.memory_space<vmem>> -> memref<1x1x64xi32, #tpu.memory_space<vmem>>
        %dma_start3A_136 = tpu.memref_squeeze %dma_start3A_135 : memref<1x1x64xi32, #tpu.memory_space<vmem>> -> memref<64xi32, #tpu.memory_space<vmem>>
        %dma_start3A_137 = arith.constant 0 : i32
        %dma_start3A_138 = arith.constant 0 : i32
        %dma_start3A_139 = tpu.memref_slice %arg2[%dma_start3A_137, %dma_start3A_138] : memref<10112x128xf32, #tpu.memory_space<hbm>> -> memref<10112x128xf32, #tpu.memory_space<hbm>>
        tpu.enqueue_indirect_dma source(%dma_start3A_139 : memref<10112x128xf32, #tpu.memory_space<hbm>>) target(%dma_start3A_133 : memref<64x128xf32, #tpu.memory_space<vmem>>) offsets(%dma_start3A_136 : memref<64xi32, #tpu.memory_space<vmem>>) semaphore(%arg8 : memref<!tpu.dma_semaphore, #tpu.memory_space<semaphore_mem>>)
      } else {
      }
      %add3A_97 = arith.constant 1 : i32
      %add3A_98 = arith.addi %add3A_74, %add3A_97 : i32
      %dma_wait3A_99 = arith.constant 0 : i32
      %dma_wait3A_100 = arith.constant 1 : i32
      %dma_wait3A_101 = arith.constant 0 : i32
      %dma_wait3A_102 = arith.constant 0 : i32
      %dma_wait3A_103 = tpu.memref_slice %arg7[%dma_wait3A_100, %dma_wait3A_101, %dma_wait3A_102] : memref<2x64x128xf32, #tpu.memory_space<vmem>> -> memref<1x64x128xf32, #tpu.memory_space<vmem>>
      %dma_wait3A_104 = tpu.memref_squeeze %dma_wait3A_103 : memref<1x64x128xf32, #tpu.memory_space<vmem>> -> memref<64x128xf32, #tpu.memory_space<vmem>>
      %dma_wait3A_105 = arith.constant 0 : i32
      %dma_wait3A_106 = tpu.memref_slice %arg6[%dma_wait3A_99, %add3A_98, %dma_wait3A_105] : memref<2x80x64xi32, #tpu.memory_space<vmem>> -> memref<1x1x64xi32, #tpu.memory_space<vmem>>
      %dma_wait3A_107 = tpu.memref_squeeze %dma_wait3A_106 : memref<1x1x64xi32, #tpu.memory_space<vmem>> -> memref<64xi32, #tpu.memory_space<vmem>>
      %dma_wait3A_108 = arith.constant 0 : i32
      %dma_wait3A_109 = arith.constant 0 : i32
      %dma_wait3A_110 = tpu.memref_slice %arg2[%dma_wait3A_108, %dma_wait3A_109] : memref<10112x128xf32, #tpu.memory_space<hbm>> -> memref<10112x128xf32, #tpu.memory_space<hbm>>
      tpu.wait_indirect_dma semaphore(%arg9 : memref<!tpu.dma_semaphore, #tpu.memory_space<semaphore_mem>>) src(%dma_wait3A_110 : memref<10112x128xf32, #tpu.memory_space<hbm>>) dst(%dma_wait3A_104 : memref<64x128xf32, #tpu.memory_space<vmem>>)
      %add3A_111 = arith.constant 1 : i32
      %add3A_112 = arith.addi %add3A_74, %add3A_111 : i32
      %run_scoped3A_113 = arith.constant 1 : i32
      %run_scoped3A_114 = arith.constant 1 : i32
      "tpu.region"() ({
        %run_scoped3A_124 = tpu.sem_alloc : memref<!tpu.dma_semaphore, #tpu.memory_space<semaphore_mem>>
        %dma_start3A_125 = arith.constant 0 : i32
        %dma_start3A_126 = arith.constant 0 : i32
        %dma_start3A_127 = tpu.memref_slice %arg7[%run_scoped3A_113, %dma_start3A_125, %dma_start3A_126] : memref<2x64x128xf32, #tpu.memory_space<vmem>> -> memref<1x64x128xf32, #tpu.memory_space<vmem>>
        %dma_start3A_128 = tpu.memref_squeeze %dma_start3A_127 : memref<1x64x128xf32, #tpu.memory_space<vmem>> -> memref<64x128xf32, #tpu.memory_space<vmem>>
        %dma_start3A_129 = arith.constant 0 : i32
        %dma_start3A_130 = tpu.memref_slice %arg6[%run_scoped3A_114, %add3A_112, %dma_start3A_129] : memref<2x80x64xi32, #tpu.memory_space<vmem>> -> memref<1x1x64xi32, #tpu.memory_space<vmem>>
        %dma_start3A_131 = tpu.memref_squeeze %dma_start3A_130 : memref<1x1x64xi32, #tpu.memory_space<vmem>> -> memref<64xi32, #tpu.memory_space<vmem>>
        %dma_start3A_132 = arith.constant 0 : i32
        %dma_start3A_133 = arith.constant 0 : i32
        %dma_start3A_134 = tpu.memref_slice %arg5[%dma_start3A_132, %dma_start3A_133] : memref<10112x128xf32, #tpu.memory_space<vmem_shared>> -> memref<10112x128xf32, #tpu.memory_space<vmem_shared>>
        tpu.enqueue_indirect_dma source(%dma_start3A_128 : memref<64x128xf32, #tpu.memory_space<vmem>>) target(%dma_start3A_134 : memref<10112x128xf32, #tpu.memory_space<vmem_shared>>) offsets(%dma_start3A_131 : memref<64xi32, #tpu.memory_space<vmem>>) semaphore(%run_scoped3A_124 : memref<!tpu.dma_semaphore, #tpu.memory_space<semaphore_mem>>) {add = true}
        %dma_wait3A_135 = arith.constant 0 : i32
        %dma_wait3A_136 = arith.constant 0 : i32
        %dma_wait3A_137 = tpu.memref_slice %arg7[%run_scoped3A_113, %dma_wait3A_135, %dma_wait3A_136] : memref<2x64x128xf32, #tpu.memory_space<vmem>> -> memref<1x64x128xf32, #tpu.memory_space<vmem>>
        %dma_wait3A_138 = tpu.memref_squeeze %dma_wait3A_137 : memref<1x64x128xf32, #tpu.memory_space<vmem>> -> memref<64x128xf32, #tpu.memory_space<vmem>>
        %dma_wait3A_139 = arith.constant 0 : i32
        %dma_wait3A_140 = tpu.memref_slice %arg6[%run_scoped3A_114, %add3A_112, %dma_wait3A_139] : memref<2x80x64xi32, #tpu.memory_space<vmem>> -> memref<1x1x64xi32, #tpu.memory_space<vmem>>
        %dma_wait3A_141 = tpu.memref_squeeze %dma_wait3A_140 : memref<1x1x64xi32, #tpu.memory_space<vmem>> -> memref<64xi32, #tpu.memory_space<vmem>>
        %dma_wait3A_142 = arith.constant 0 : i32
        %dma_wait3A_143 = arith.constant 0 : i32
        %dma_wait3A_144 = tpu.memref_slice %arg5[%dma_wait3A_142, %dma_wait3A_143] : memref<10112x128xf32, #tpu.memory_space<vmem_shared>> -> memref<10112x128xf32, #tpu.memory_space<vmem_shared>>
        tpu.wait_indirect_dma semaphore(%run_scoped3A_124 : memref<!tpu.dma_semaphore, #tpu.memory_space<semaphore_mem>>) src(%dma_wait3A_138 : memref<64x128xf32, #tpu.memory_space<vmem>>) dst(%dma_wait3A_144 : memref<10112x128xf32, #tpu.memory_space<vmem_shared>>)
        tpu.yield
      }) : () -> ()
      %add3A_115 = arith.constant 1 : i32
      %add3A_116 = arith.addi %add3A_74, %add3A_115 : i32
      %add3A_117 = arith.constant 2 : i32
      %add3A_118 = arith.addi %add3A_116, %add3A_117 : i32
      %lt3A_119 = arith.constant 80 : i32
      %lt3A_120 = arith.cmpi slt, %add3A_118, %lt3A_119 : i32
      %convert_element_type3A_121 = arith.extui %lt3A_120 : i1 to i32
      %cond3A_122 = arith.constant 0 : i32
      %cond3A_123 = arith.cmpi ne, %convert_element_type3A_121, %cond3A_122 : i32
      scf.if %cond3A_123 {
        %add3A_124 = arith.constant 1 : i32
        %add3A_125 = arith.addi %add3A_74, %add3A_124 : i32
        %add3A_126 = arith.constant 2 : i32
        %add3A_127 = arith.addi %add3A_125, %add3A_126 : i32
        %dma_start3A_128 = arith.constant 0 : i32
        %dma_start3A_129 = arith.constant 1 : i32
        %dma_start3A_130 = arith.constant 0 : i32
        %dma_start3A_131 = arith.constant 0 : i32
        %dma_start3A_132 = tpu.memref_slice %arg7[%dma_start3A_129, %dma_start3A_130, %dma_start3A_131] : memref<2x64x128xf32, #tpu.memory_space<vmem>> -> memref<1x64x128xf32, #tpu.memory_space<vmem>>
        %dma_start3A_133 = tpu.memref_squeeze %dma_start3A_132 : memref<1x64x128xf32, #tpu.memory_space<vmem>> -> memref<64x128xf32, #tpu.memory_space<vmem>>
        %dma_start3A_134 = arith.constant 0 : i32
        %dma_start3A_135 = tpu.memref_slice %arg6[%dma_start3A_128, %add3A_127, %dma_start3A_134] : memref<2x80x64xi32, #tpu.memory_space<vmem>> -> memref<1x1x64xi32, #tpu.memory_space<vmem>>
        %dma_start3A_136 = tpu.memref_squeeze %dma_start3A_135 : memref<1x1x64xi32, #tpu.memory_space<vmem>> -> memref<64xi32, #tpu.memory_space<vmem>>
        %dma_start3A_137 = arith.constant 0 : i32
        %dma_start3A_138 = arith.constant 0 : i32
        %dma_start3A_139 = tpu.memref_slice %arg2[%dma_start3A_137, %dma_start3A_138] : memref<10112x128xf32, #tpu.memory_space<hbm>> -> memref<10112x128xf32, #tpu.memory_space<hbm>>
        tpu.enqueue_indirect_dma source(%dma_start3A_139 : memref<10112x128xf32, #tpu.memory_space<hbm>>) target(%dma_start3A_133 : memref<64x128xf32, #tpu.memory_space<vmem>>) offsets(%dma_start3A_136 : memref<64xi32, #tpu.memory_space<vmem>>) semaphore(%arg9 : memref<!tpu.dma_semaphore, #tpu.memory_space<semaphore_mem>>)
      } else {
      }
    }
    %scan3A_64 = arith.constant 40 : i32
    %barrier3A_65 = arith.constant 0 : index
    tpu.barrier barrier_id(%barrier3A_65)
    %mul3A_66 = arith.constant 632 : i32
    %mul3A_67 = arith.muli %arg1, %mul3A_66 : i32
    %mul3A_68 = arith.constant 632 : i32
    %mul3A_69 = arith.muli %arg1, %mul3A_68 : i32
    "tpu.region"() ({
      %run_scoped3A = tpu.sem_alloc : memref<!tpu.dma_semaphore, #tpu.memory_space<semaphore_mem>>
      %dma_start3A_70 = arith.constant 0 : i32
      %dma_start3A_71 = tpu.memref_slice %arg4[%arg0, %mul3A_69, %dma_start3A_70] : memref<2x10112x128xf32, #tpu.memory_space<hbm>> -> memref<1x632x128xf32, #tpu.memory_space<hbm>>
      %dma_start3A_72 = tpu.memref_squeeze %dma_start3A_71 : memref<1x632x128xf32, #tpu.memory_space<hbm>> -> memref<632x128xf32, #tpu.memory_space<hbm>>
      %dma_start3A_73 = arith.constant 0 : i32
      %dma_start3A_74 = tpu.memref_slice %arg5[%mul3A_67, %dma_start3A_73] : memref<10112x128xf32, #tpu.memory_space<vmem_shared>> -> memref<632x128xf32, #tpu.memory_space<vmem_shared>>
      tpu.enqueue_dma source(%dma_start3A_74 : memref<632x128xf32, #tpu.memory_space<vmem_shared>>) target(%dma_start3A_72 : memref<632x128xf32, #tpu.memory_space<hbm>>) target_semaphore(%run_scoped3A : memref<!tpu.dma_semaphore, #tpu.memory_space<semaphore_mem>>)
      %dma_wait3A = arith.constant 0 : i32
      %dma_wait3A_75 = tpu.memref_slice %arg4[%arg0, %mul3A_69, %dma_wait3A] : memref<2x10112x128xf32, #tpu.memory_space<hbm>> -> memref<1x632x128xf32, #tpu.memory_space<hbm>>
      %dma_wait3A_76 = tpu.memref_squeeze %dma_wait3A_75 : memref<1x632x128xf32, #tpu.memory_space<hbm>> -> memref<632x128xf32, #tpu.memory_space<hbm>>
      %dma_wait3A_77 = arith.constant 0 : i32
      %dma_wait3A_78 = tpu.memref_slice %arg5[%mul3A_67, %dma_wait3A_77] : memref<10112x128xf32, #tpu.memory_space<vmem_shared>> -> memref<632x128xf32, #tpu.memory_space<vmem_shared>>
      tpu.wait_dma2 semaphore(%run_scoped3A : memref<!tpu.dma_semaphore, #tpu.memory_space<semaphore_mem>>) src(%dma_wait3A_78 : memref<632x128xf32, #tpu.memory_space<vmem_shared>>) dst(%dma_wait3A_76 : memref<632x128xf32, #tpu.memory_space<hbm>>)
      tpu.yield
    }) : () -> ()
    return
  }
}

module attributes {stable_mosaic.version = 14 : i64} {
  func.func @body(%arg0: memref<10000x128xf32, #tpu.memory_space<vmem>>, %arg1: memref<128x128xf32, #tpu.memory_space<vmem>>, %arg2: memref<2x10112x128xf32, #tpu.memory_space<vmem>>, %arg3: memref<10112x128xf32, #tpu.memory_space<vmem>>) attributes {dimension_semantics = [], scalar_prefetch = 0 : i64, scratch_operands = 0 : i64, tpu.core_type = #tpu.core_type<tc>} {
    %get3A = arith.constant 0 : index
    %get3A_0 = arith.constant 0 : index
    %get3A_1 = arith.constant 0 : index
    %get3A_2 = vector.load %arg2[%get3A, %get3A_0, %get3A_1] : memref<2x10112x128xf32, #tpu.memory_space<vmem>>, vector<1x10112x128xf32>
    %get3A_3 = vector.shape_cast %get3A_2 : vector<1x10112x128xf32> to vector<10112x128xf32>
    %get3A_4 = arith.constant 1 : index
    %get3A_5 = arith.constant 0 : index
    %get3A_6 = arith.constant 0 : index
    %get3A_7 = vector.load %arg2[%get3A_4, %get3A_5, %get3A_6] : memref<2x10112x128xf32, #tpu.memory_space<vmem>>, vector<1x10112x128xf32>
    %get3A_8 = vector.shape_cast %get3A_7 : vector<1x10112x128xf32> to vector<10112x128xf32>
    %add3A = arith.addf %get3A_3, %get3A_8 : vector<10112x128xf32>
    %add3A_9 = arith.constant 1.000000e+00 : f32
    %add3A_10 = vector.broadcast %add3A_9 : f32 to vector<10112x128xf32>
    %add3A_11 = arith.addf %add3A, %add3A_10 : vector<10112x128xf32>
    %max3A = arith.constant 1.000000e+00 : f32
    %max3A_12 = vector.broadcast %max3A : f32 to vector<10112x128xf32>
    %max3A_13 = arith.maximumf %add3A_11, %max3A_12 : vector<10112x128xf32>
    %rsqrt3A = math.rsqrt %max3A_13 : vector<10112x128xf32>
    %slice3A = vector.extract_strided_slice %rsqrt3A {offsets = [0, 0], sizes = [10000, 1], strides = [1, 1]} : vector<10112x128xf32> to vector<10000x1xf32>
    %get3A_14 = arith.constant 0 : index
    %get3A_15 = arith.constant 0 : index
    %get3A_16 = vector.load %arg0[%get3A_14, %get3A_15] : memref<10000x128xf32, #tpu.memory_space<vmem>>, vector<10000x128xf32>
    %get3A_17 = arith.constant 0 : index
    %get3A_18 = arith.constant 0 : index
    %get3A_19 = vector.load %arg1[%get3A_17, %get3A_18] : memref<128x128xf32, #tpu.memory_space<vmem>>, vector<128x128xf32>
    %dot_general3A = arith.constant dense<0.000000e+00> : vector<10000x128xf32>
    %dot_general3A_20 = tpu.matmul %get3A_16, %get3A_19, %dot_general3A {dimension_numbers = #tpu.dot_dimension_numbers<[1], [0], [0], [1], [0, 0, 1, 1], [], []>, transpose_lhs_hint = false} : vector<10000x128xf32>, vector<128x128xf32>, vector<10000x128xf32> -> vector<10000x128xf32>
    %mul3A = vector.broadcast %slice3A : vector<10000x1xf32> to vector<10000x128xf32>
    %mul3A_21 = arith.mulf %dot_general3A_20, %mul3A : vector<10000x128xf32>
    %swap3A = arith.constant 0 : index
    %swap3A_22 = arith.constant 0 : index
    %swap3A_23 = vector.load %arg3[%swap3A, %swap3A_22] : memref<10112x128xf32, #tpu.memory_space<vmem>>, vector<10000x128xf32>
    tpu.vector_store %arg3[%swap3A, %swap3A_22], %mul3A_21 {strides = array<i32>} : memref<10112x128xf32, #tpu.memory_space<vmem>>, vector<10000x128xf32>,
    %broadcast_in_dim3A = arith.constant 0.000000e+00 : f32
    %broadcast_in_dim3A_24 = vector.broadcast %broadcast_in_dim3A : f32 to vector<112x128xf32>
    %swap3A_25 = arith.constant 10000 : index
    %swap3A_26 = arith.constant 0 : index
    %swap3A_27 = vector.load %arg3[%swap3A_25, %swap3A_26] : memref<10112x128xf32, #tpu.memory_space<vmem>>, vector<112x128xf32>
    tpu.vector_store %arg3[%swap3A_25, %swap3A_26], %broadcast_in_dim3A_24 {strides = array<i32>} : memref<10112x128xf32, #tpu.memory_space<vmem>>, vector<112x128xf32>,
    return
  }
}

module attributes {stable_mosaic.version = 14 : i64} {
  func.func @body(%arg0: memref<2x10112x128xf32, #tpu.memory_space<vmem>>, %arg1: memref<10112x128xf32, #tpu.memory_space<vmem>>, %arg2: memref<2x10112x128xf32, #tpu.memory_space<vmem>>, %arg3: memref<1x128xf32, #tpu.memory_space<vmem>>, %arg4: memref<128x128xf32, #tpu.memory_space<vmem>>, %arg5: memref<10112x128xf32, #tpu.memory_space<vmem>>) attributes {dimension_semantics = [], scalar_prefetch = 0 : i64, scratch_operands = 0 : i64, tpu.core_type = #tpu.core_type<tc>} {
    %get3A = arith.constant 0 : index
    %get3A_0 = arith.constant 0 : index
    %get3A_1 = arith.constant 0 : index
    %get3A_2 = vector.load %arg2[%get3A, %get3A_0, %get3A_1] : memref<2x10112x128xf32, #tpu.memory_space<vmem>>, vector<1x10112x128xf32>
    %get3A_3 = vector.shape_cast %get3A_2 : vector<1x10112x128xf32> to vector<10112x128xf32>
    %get3A_4 = arith.constant 1 : index
    %get3A_5 = arith.constant 0 : index
    %get3A_6 = arith.constant 0 : index
    %get3A_7 = vector.load %arg2[%get3A_4, %get3A_5, %get3A_6] : memref<2x10112x128xf32, #tpu.memory_space<vmem>>, vector<1x10112x128xf32>
    %get3A_8 = vector.shape_cast %get3A_7 : vector<1x10112x128xf32> to vector<10112x128xf32>
    %add3A = arith.addf %get3A_3, %get3A_8 : vector<10112x128xf32>
    %add3A_9 = arith.constant 1.000000e+00 : f32
    %add3A_10 = vector.broadcast %add3A_9 : f32 to vector<10112x128xf32>
    %add3A_11 = arith.addf %add3A, %add3A_10 : vector<10112x128xf32>
    %max3A = arith.constant 1.000000e+00 : f32
    %max3A_12 = vector.broadcast %max3A : f32 to vector<10112x128xf32>
    %max3A_13 = arith.maximumf %add3A_11, %max3A_12 : vector<10112x128xf32>
    %rsqrt3A = math.rsqrt %max3A_13 : vector<10112x128xf32>
    %slice3A = vector.extract_strided_slice %rsqrt3A {offsets = [0, 0], sizes = [10112, 1], strides = [1, 1]} : vector<10112x128xf32> to vector<10112x1xf32>
    %get3A_14 = arith.constant 0 : index
    %get3A_15 = arith.constant 0 : index
    %get3A_16 = arith.constant 0 : index
    %get3A_17 = vector.load %arg0[%get3A_14, %get3A_15, %get3A_16] : memref<2x10112x128xf32, #tpu.memory_space<vmem>>, vector<1x10112x128xf32>
    %get3A_18 = vector.shape_cast %get3A_17 : vector<1x10112x128xf32> to vector<10112x128xf32>
    %get3A_19 = arith.constant 1 : index
    %get3A_20 = arith.constant 0 : index
    %get3A_21 = arith.constant 0 : index
    %get3A_22 = vector.load %arg0[%get3A_19, %get3A_20, %get3A_21] : memref<2x10112x128xf32, #tpu.memory_space<vmem>>, vector<1x10112x128xf32>
    %get3A_23 = vector.shape_cast %get3A_22 : vector<1x10112x128xf32> to vector<10112x128xf32>
    %add3A_24 = arith.addf %get3A_18, %get3A_23 : vector<10112x128xf32>
    %get3A_25 = arith.constant 0 : index
    %get3A_26 = arith.constant 0 : index
    %get3A_27 = vector.load %arg1[%get3A_25, %get3A_26] : memref<10112x128xf32, #tpu.memory_space<vmem>>, vector<10112x128xf32>
    %sub3A = arith.subf %add3A_24, %get3A_27 : vector<10112x128xf32>
    %mul3A = vector.broadcast %slice3A : vector<10112x1xf32> to vector<10112x128xf32>
    %mul3A_28 = arith.mulf %mul3A, %sub3A : vector<10112x128xf32>
    %get3A_29 = arith.constant 0 : index
    %get3A_30 = arith.constant 0 : index
    %get3A_31 = vector.load %arg3[%get3A_29, %get3A_30] : memref<1x128xf32, #tpu.memory_space<vmem>>, vector<1x128xf32>
    %add3A_32 = vector.broadcast %get3A_31 : vector<1x128xf32> to vector<10112x128xf32>
    %add3A_33 = arith.addf %mul3A_28, %add3A_32 : vector<10112x128xf32>
    %max3A_34 = arith.constant 0.000000e+00 : f32
    %max3A_35 = vector.broadcast %max3A_34 : f32 to vector<10112x128xf32>
    %max3A_36 = arith.maximumf %add3A_33, %max3A_35 : vector<10112x128xf32>
    %get3A_37 = arith.constant 0 : index
    %get3A_38 = arith.constant 0 : index
    %get3A_39 = vector.load %arg4[%get3A_37, %get3A_38] : memref<128x128xf32, #tpu.memory_space<vmem>>, vector<128x128xf32>
    %dot_general3A = arith.constant dense<0.000000e+00> : vector<10112x128xf32>
    %dot_general3A_40 = tpu.matmul %max3A_36, %get3A_39, %dot_general3A {dimension_numbers = #tpu.dot_dimension_numbers<[1], [0], [0], [1], [0, 0, 1, 1], [], []>, transpose_lhs_hint = false} : vector<10112x128xf32>, vector<128x128xf32>, vector<10112x128xf32> -> vector<10112x128xf32>
    %mul3A_41 = vector.broadcast %slice3A : vector<10112x1xf32> to vector<10112x128xf32>
    %mul3A_42 = arith.mulf %dot_general3A_40, %mul3A_41 : vector<10112x128xf32>
    %slice3A_43 = vector.extract_strided_slice %mul3A_42 {offsets = [0, 0], sizes = [10000, 128], strides = [1, 1]} : vector<10112x128xf32> to vector<10000x128xf32>
    %swap3A = arith.constant 0 : index
    %swap3A_44 = arith.constant 0 : index
    %swap3A_45 = vector.load %arg5[%swap3A, %swap3A_44] : memref<10112x128xf32, #tpu.memory_space<vmem>>, vector<10000x128xf32>
    tpu.vector_store %arg5[%swap3A, %swap3A_44], %slice3A_43 {strides = array<i32>} : memref<10112x128xf32, #tpu.memory_space<vmem>>, vector<10000x128xf32>,
    %broadcast_in_dim3A = arith.constant 0.000000e+00 : f32
    %broadcast_in_dim3A_46 = vector.broadcast %broadcast_in_dim3A : f32 to vector<112x128xf32>
    %swap3A_47 = arith.constant 10000 : index
    %swap3A_48 = arith.constant 0 : index
    %swap3A_49 = vector.load %arg5[%swap3A_47, %swap3A_48] : memref<10112x128xf32, #tpu.memory_space<vmem>>, vector<112x128xf32>
    tpu.vector_store %arg5[%swap3A_47, %swap3A_48], %broadcast_in_dim3A_46 {strides = array<i32>} : memref<10112x128xf32, #tpu.memory_space<vmem>>, vector<112x128xf32>,
    return
  }
}

module attributes {stable_mosaic.version = 14 : i64} {
  func.func @body(%arg0: memref<2x10112x128xf32, #tpu.memory_space<vmem>>, %arg1: memref<10112x128xf32, #tpu.memory_space<vmem>>, %arg2: memref<2x10112x128xf32, #tpu.memory_space<vmem>>, %arg3: memref<1x128xf32, #tpu.memory_space<vmem>>, %arg4: memref<10000x128xf32, #tpu.memory_space<vmem>>) attributes {dimension_semantics = [], scalar_prefetch = 0 : i64, scratch_operands = 0 : i64, tpu.core_type = #tpu.core_type<tc>} {
    %get3A = arith.constant 0 : index
    %get3A_0 = arith.constant 0 : index
    %get3A_1 = arith.constant 0 : index
    %get3A_2 = vector.load %arg2[%get3A, %get3A_0, %get3A_1] : memref<2x10112x128xf32, #tpu.memory_space<vmem>>, vector<1x10112x128xf32>
    %get3A_3 = vector.shape_cast %get3A_2 : vector<1x10112x128xf32> to vector<10112x128xf32>
    %get3A_4 = arith.constant 1 : index
    %get3A_5 = arith.constant 0 : index
    %get3A_6 = arith.constant 0 : index
    %get3A_7 = vector.load %arg2[%get3A_4, %get3A_5, %get3A_6] : memref<2x10112x128xf32, #tpu.memory_space<vmem>>, vector<1x10112x128xf32>
    %get3A_8 = vector.shape_cast %get3A_7 : vector<1x10112x128xf32> to vector<10112x128xf32>
    %add3A = arith.addf %get3A_3, %get3A_8 : vector<10112x128xf32>
    %add3A_9 = arith.constant 1.000000e+00 : f32
    %add3A_10 = vector.broadcast %add3A_9 : f32 to vector<10112x128xf32>
    %add3A_11 = arith.addf %add3A, %add3A_10 : vector<10112x128xf32>
    %max3A = arith.constant 1.000000e+00 : f32
    %max3A_12 = vector.broadcast %max3A : f32 to vector<10112x128xf32>
    %max3A_13 = arith.maximumf %add3A_11, %max3A_12 : vector<10112x128xf32>
    %rsqrt3A = math.rsqrt %max3A_13 : vector<10112x128xf32>
    %slice3A = vector.extract_strided_slice %rsqrt3A {offsets = [0, 0], sizes = [10000, 1], strides = [1, 1]} : vector<10112x128xf32> to vector<10000x1xf32>
    %get3A_14 = arith.constant 0 : index
    %get3A_15 = arith.constant 0 : index
    %get3A_16 = arith.constant 0 : index
    %get3A_17 = vector.load %arg0[%get3A_14, %get3A_15, %get3A_16] : memref<2x10112x128xf32, #tpu.memory_space<vmem>>, vector<1x10112x128xf32>
    %get3A_18 = vector.shape_cast %get3A_17 : vector<1x10112x128xf32> to vector<10112x128xf32>
    %get3A_19 = arith.constant 1 : index
    %get3A_20 = arith.constant 0 : index
    %get3A_21 = arith.constant 0 : index
    %get3A_22 = vector.load %arg0[%get3A_19, %get3A_20, %get3A_21] : memref<2x10112x128xf32, #tpu.memory_space<vmem>>, vector<1x10112x128xf32>
    %get3A_23 = vector.shape_cast %get3A_22 : vector<1x10112x128xf32> to vector<10112x128xf32>
    %add3A_24 = arith.addf %get3A_18, %get3A_23 : vector<10112x128xf32>
    %get3A_25 = arith.constant 0 : index
    %get3A_26 = arith.constant 0 : index
    %get3A_27 = vector.load %arg1[%get3A_25, %get3A_26] : memref<10112x128xf32, #tpu.memory_space<vmem>>, vector<10112x128xf32>
    %sub3A = arith.subf %add3A_24, %get3A_27 : vector<10112x128xf32>
    %slice3A_28 = vector.extract_strided_slice %sub3A {offsets = [0, 0], sizes = [10000, 128], strides = [1, 1]} : vector<10112x128xf32> to vector<10000x128xf32>
    %mul3A = vector.broadcast %slice3A : vector<10000x1xf32> to vector<10000x128xf32>
    %mul3A_29 = arith.mulf %mul3A, %slice3A_28 : vector<10000x128xf32>
    %get3A_30 = arith.constant 0 : index
    %get3A_31 = arith.constant 0 : index
    %get3A_32 = vector.load %arg3[%get3A_30, %get3A_31] : memref<1x128xf32, #tpu.memory_space<vmem>>, vector<1x128xf32>
    %add3A_33 = vector.broadcast %get3A_32 : vector<1x128xf32> to vector<10000x128xf32>
    %add3A_34 = arith.addf %mul3A_29, %add3A_33 : vector<10000x128xf32>
    %reduce_max3A = arith.constant dense<0xFF800000> : vector<10000xf32>
    %reduce_max3A_35 = vector.multi_reduction <maximumf>, %add3A_34, %reduce_max3A [1] : vector<10000x128xf32> to vector<10000xf32>
    %broadcast_in_dim3A = vector.shape_cast %reduce_max3A_35 : vector<10000xf32> to vector<10000x1xf32>
    %sub3A_36 = vector.broadcast %broadcast_in_dim3A : vector<10000x1xf32> to vector<10000x128xf32>
    %sub3A_37 = arith.subf %add3A_34, %sub3A_36 : vector<10000x128xf32>
    %exp3A = math.exp %sub3A_37 : vector<10000x128xf32>
    %reduce_sum3A = arith.constant dense<0.000000e+00> : vector<10000xf32>
    %reduce_sum3A_38 = vector.multi_reduction <add>, %exp3A, %reduce_sum3A [1] : vector<10000x128xf32> to vector<10000xf32>
    %broadcast_in_dim3A_39 = vector.shape_cast %reduce_sum3A_38 : vector<10000xf32> to vector<10000x1xf32>
    %log3A = math.log %broadcast_in_dim3A_39 : vector<10000x1xf32>
    %sub3A_40 = vector.broadcast %log3A : vector<10000x1xf32> to vector<10000x128xf32>
    %sub3A_41 = arith.subf %sub3A_37, %sub3A_40 : vector<10000x128xf32>
    %swap3A = arith.constant 0 : index
    %swap3A_42 = arith.constant 0 : index
    %swap3A_43 = vector.load %arg4[%swap3A, %swap3A_42] : memref<10000x128xf32, #tpu.memory_space<vmem>>, vector<10000x128xf32>
    tpu.vector_store %arg4[%swap3A, %swap3A_42], %sub3A_41 {strides = array<i32>} : memref<10000x128xf32, #tpu.memory_space<vmem>>, vector<10000x128xf32>,
    return
  }
}

</mosaic_0001>

<sc_bundles>
// kernel: kernel.11.cloned.1.call-start
scs
__scs_entry_jumppad:
0x0: {  	(pc) =	sbr.rel $0x88, $3  }
0x1: {  	(tag) =	ssettag $0x0;
	lr =	simm.s32 $0x1  }
0x2: {  	[smem:$0x3F9B] =	sst lr;
	_ =	strace $0xD0000000  }
0x3: {  	_ = 	snop  }
0x4: {  	_ = 	snop  }
0x5: {  	_ = 	snop  }
0x6: {  	_ = 	snop  }
0x7: {  	_ = 	snop  }
__scs_overlays_trampoline_lowered:
0x8: {  	[smem:$0x3FAA] =	sst s0  }
0x9: {  	[smem:$0x3FAB] =	sst s1  }
0xa: {  	[smem:$0x3FAC] =	sst s2  }
0xb: {  	[smem:$0x3FAD] =	sst s3  }
0xc: {  	[smem:$0x3FAE] =	sst s4  }
0xd: {  	[smem:$0x3FAF] =	sst s5  }
0xe: {  	[smem:$0x3FB0] =	sst s6  }
0xf: {  	[smem:$0x3FB1] =	sst s7  }
0x10: {  	[smem:$0x3FB2] =	sst s8  }
0x11: {  	[smem:$0x3FB3] =	sst s9;
	s0 =	simm.s32 @!p0 $0x0  }
0x12: {  	s1 =	sld [smem:$0x3F99];
	s0 =	simm.s32 @p0 $0x1  }
0x13: {  	[smem:$0x3FB4] =	sst s0;
	s0 =	simm.s32 @!p1 $0x0  }
0x14: {  	s2 =	sld [smem:$0x3F98];
	s0 =	simm.s32 @p1 $0x1  }
0x15: {  	[smem:$0x3FB5] =	sst s0;
	s0 =	simm.s32 @!p2 $0x0  }
0x16: {  	s3 =	sld [smem:$0x3FDB];
	s0 =	simm.s32 @p2 $0x1  }
0x17: {  	s4 =	simm.s32 $0x1BF5;
	[smem:$0x3FB7] =	sst s0  }
0x18: {  	s0 =	sld [smem:$0x3F9A];
	_ =	swait.ge [sflag:s4], $0x0  }
0x19: {  	s7 =	sld [smem:$0x3F9B]  }
0x1a: {  	s8 =	sadd.s32 $0xFFFFE003, lr  }
0x1b: {  	s9 =	sadd.s32 $0xFFFFFEF7, lr;
	s5 =	simm.s32 $0xFFFFFFFF;
	p2 =	slt.u32 s8, $0xFFFFF086  }
0x1c: {  	p1 =	slt.u32 s9, $0xF7A;
	s5 =	simm.s32 @!p2 $0x0  }
0x1d: {  	s5 =	simm.s32 @p1 $0x1;
	p0 =	seq.s32 s7, s2  }
0x1e: {  	s7 =	smul.u32 @!p0 $0xF7A, s2;
	p2 =	seq.s32 @!p0 s5, $0x0  }
0x1f: {  	s9 =	smul.u32 $0xF7A, s1;
	s8 =	simm.s32 @!p0 $0x1BF5;
	p2 =	por !p2, p0  }
0x20: {  	[sflag:s8] =	ssyncset.s32 @!p0 $0xFFFFF086;
	s6 =	sadd.s32 @!p0 s3, s7;
	s7 =	simm.s32 @!p0 $0x108  }
0x21: {  	s3 =	sadd.s32 s3, s9;
	s6 =	sadd.s32 @!p0 $0x88, s6;
	s7 =	simm.s32 @p2 $0x1082  }
0x22: {  	[simem:s7], [sflag:s8] =	dma.local @!p0 [hbm:s6], $0xF7A  }
0x23: {  	s9 =	sor.u32 $0xD0000000, s2;
	s6 =	simm.s32 $0x108;
	_ =	swait.ge @!p0 [sflag:s8], $0x0  }
0x24: {  	s3 =	sadd.s32 $0x88, s3;
	s6 =	simm.s32 @!p1 $0x1082;
	[sflag:s4] =	ssyncset.s32 $0xFFFFF086  }
0x25: {  	[simem:s6], [sflag:s4] =	dma.local [hbm:s3], $0xF7A  }
0x26: {  	[smem:$0x3F9B] =	sst s1;
	(tag) =	ssettag s2;
	_ =	strace s9  }
0x27: {  	s1 =	sld [smem:$0x3FAB]  }
0x28: {  	s2 =	sld [smem:$0x3FAC]  }
0x29: {  	s4 =	sld [smem:$0x3FAE]  }
0x2a: {  	p0 =	seq.s32 s5, $0x0;
	s5 =	sld [smem:$0x3FAF]  }
0x2b: {  	s6 =	sld [smem:$0x3FB0]  }
0x2c: {  	s7 =	sld [smem:$0x3FB1]  }
0x2d: {  	s3 =	simm.s32 $0x108;
	s8 =	sld [smem:$0x3FB2]  }
0x2e: {  	s3 =	simm.s32 @!p0 $0x1082;
	s9 =	sld [smem:$0x3FB3]  }
0x2f: {  	lr =	sadd.s32 s0, s3;
	s0 =	sld [smem:$0x3FAA]  }
0x30: {  	s3 =	sld [smem:$0x3FAD]  }
0x31: {  	[smem:$0x3FB6] =	sst s10  }
0x32: {  	s10 =	sld [smem:$0x3FB4];
	_ =	sdelay $0x3  }
0x33: {  	p0 =	seq.s32 s10, $0x1;
	s10 =	sld [smem:$0x3FB6];
	_ =	sdelay $0x3  }
0x34: {  	[smem:$0x3FB6] =	sst s10  }
0x35: {  	s10 =	sld [smem:$0x3FB5];
	_ =	sdelay $0x3  }
0x36: {  	p1 =	seq.s32 s10, $0x1;
	s10 =	sld [smem:$0x3FB6];
	_ =	sdelay $0x3  }
0x37: {  	[smem:$0x3FB6] =	sst s10  }
0x38: {  	s10 =	sld [smem:$0x3FB7]  }
0x39: {  	_ = 	snop;
	(pc) =	sbr.ind lr, $3  }
0x3a: {  	_ = 	snop  }
0x3b: {  	_ = 	snop  }
0x3c: {  	p2 =	seq.s32 s10, $0x1;
	s10 =	sld [smem:$0x3FB6]  }
0x3d: {  	_ =	shalt  }
0x3e: {  	_ =	shalt  }
0x3f: {  	_ =	shalt  }
0x40: {  	_ =	shalt  }
0x41: {  	_ =	shalt  }
0x42: {  	_ =	shalt  }
0x43: {  	_ =	shalt  }
0x44: {  	_ =	shalt  }
0x45: {  	_ =	shalt  }
0x46: {  	_ =	shalt  }
0x47: {  	_ =	shalt  }
0x48: {  	_ =	shalt  }
0x49: {  	_ =	shalt  }
0x4a: {  	_ =	shalt  }
0x4b: {  	_ =	shalt  }
0x4c: {  	_ =	shalt  }
0x4d: {  	_ =	shalt  }
0x4e: {  	_ =	shalt  }
0x4f: {  	_ =	shalt  }
0x50: {  	_ =	shalt  }
0x51: {  	_ =	shalt  }
0x52: {  	_ =	shalt  }
0x53: {  	_ =	shalt  }
0x54: {  	_ =	shalt  }
0x55: {  	_ =	shalt  }
0x56: {  	_ =	shalt  }
0x57: {  	_ =	shalt  }
0x58: {  	_ =	shalt  }
0x59: {  	_ =	shalt  }
0x5a: {  	_ =	shalt  }
0x5b: {  	_ =	shalt  }
0x5c: {  	_ =	shalt  }
0x5d: {  	_ =	shalt  }
0x5e: {  	_ =	shalt  }
0x5f: {  	_ =	shalt  }
0x60: {  	_ =	shalt  }
0x61: {  	_ =	shalt  }
0x62: {  	_ =	shalt  }
0x63: {  	_ =	shalt  }
0x64: {  	_ =	shalt  }
0x65: {  	_ =	shalt  }
0x66: {  	_ =	shalt  }
0x67: {  	_ =	shalt  }
0x68: {  	_ =	shalt  }
0x69: {  	_ =	shalt  }
0x6a: {  	_ =	shalt  }
0x6b: {  	_ =	shalt  }
0x6c: {  	_ =	shalt  }
0x6d: {  	_ =	shalt  }
0x6e: {  	_ =	shalt  }
0x6f: {  	_ =	shalt  }
0x70: {  	_ =	shalt  }
0x71: {  	_ =	shalt  }
0x72: {  	_ =	shalt  }
0x73: {  	_ =	shalt  }
0x74: {  	_ =	shalt  }
0x75: {  	_ =	shalt  }
0x76: {  	_ =	shalt  }
0x77: {  	_ =	shalt  }
0x78: {  	_ =	shalt  }
0x79: {  	_ =	shalt  }
0x7a: {  	_ =	shalt  }
0x7b: {  	_ =	shalt  }
0x7c: {  	_ =	shalt  }
0x7d: {  	_ =	shalt  }
0x7e: {  	_ =	shalt  }
0x7f: {  	_ =	shalt  }
0x80: {  	_ =	shalt  }
0x81: {  	_ =	shalt  }
0x82: {  	_ =	shalt  }
0x83: {  	_ =	shalt  }
0x84: {  	_ =	shalt  }
0x85: {  	_ =	shalt  }
0x86: {  	_ =	shalt  }
0x87: {  	_ =	shalt  }
.Lfunc_end0:
.L_simem_size_0:
called_computation.1_lowered:
.L_overlay_start_0:
0x88: {  	s2 =	sld [smem:$0x3FD9]  }
0x89: {  	s3 =	sld [smem:$0x3FFE];
	_ =	sdelay $0x1  }
0x8a: {  	s1 =	srdreg.scid  }
0x8b: {  	s0 =	sand.u32 $0x1, s1  }
0x8c: {  	s16 =	sshll.u32 s0, $0xA;
	s2 =	sadd.s32 s3, s2  }
0x8d: {  	s2 =	sadd.s32 s2, s16  }
0x8e: {  	[smem:$0x3FC2] =	sst s2  }
0x8f: {  	_ = 	snop  }
0x90: {  	(tm) =	ssettm $0x1  }
0x91: {  	s17 =	sld [smem:$0x3FFB];
	_ =	sdelay $0x3  }
0x92: {  	_ =	strace s17  }
0x93: {  	s2 =	sld [smem:$0x3FFC];
	_ =	sdelay $0x3  }
0x94: {  	_ =	strace s2  }
0x95: {  	s2 =	sld [smem:$0x3FFD];
	_ =	sdelay $0x3  }
0x96: {  	_ =	strace s2  }
0x97: {  	_ =	strace $0x8FFFFFFF  }
0x98: {  	s18 =	sld [smem:$0x3FDB];
	_ =	sdelay $0x1  }
0x99: {  	s19 =	simm.s32 $_scs_section_size  }
0x9a: {  	s4 =	simm.s32 $_size__tile_overlayer_lowered;
	s5 =	simm.s32 $_tile_overlayer_lowered  }
0x9b: {  	s22 =	simm.s32 $0x1BFF;
	s21 =	sshll.u32 s5, $0x1;
	s2 =	sadd.s32 s19, s18  }
0x9c: {  	s6 =	simm.s32 $0x0;
	s20 =	sshll.u32 s4, $0x1;
	s4 =	sadd.s32 s21, s2  }
0x9d: {  	[timem:s6], [sflag:s22] =	dma.local [hbm:s4], s20  }
0x9e: {  	_ =	swait.ge [sflag:s22], s20  }
0x9f: {  	s3 =	ssub.s32 $0x0, s20;
	[sflag:s22] =	ssyncset.done $0x0  }
0xa0: {  	[sflag:s22] =	ssyncadd.s32 s3;
	_ =	sdelay $0x1  }
0xa1: {  	s23 =	simm.s32 $0x1B8B  }
0xa2: {  	_ =	swait.ge [sflag:s23], $0x1  }
0xa3: {  	[sflag:s23] =	ssyncset.done $0x0  }
0xa4: {  	s25 =	simm.s32 $0x1B8E;
	s24 =	sld [smem:$0x3FFE];
	[sflag:s23] =	ssyncadd.s32 $0xFFFFFFFF  }
0xa5: {  	s26 =	simm.s32 $execute0_lowered;
	[smem:$0x3FD2] =	sst s25  }
0xa6: {  	s4 =	sshll.u32 s26, $0x1;
	_ =	strace $0x80000049;
	[dreg:$0x1] =	wrdreg $0xFFFFFFFF  }
0xa7: {  	s28 =	simm.s32 $_size_execute0_lowered;
	s2 =	sadd.s32 s2, s4;
	[dreg:$0x0] =	wrdreg $0x0  }
0xa8: {  	s4 =	sshll.u32 s28, $0x1;
	[dreg:$0x2] =	wrdreg s2  }
0xa9: {  	[dreg:$0x3] =	wrdreg s4  }
0xaa: {  	[dreg:$0x4] =	wrdreg $0xC0  }
0xab: {  	_ =	task [dreg:s6], $0x5FFFF  }
0xac: {  	[dreg:$0x1] =	wrdreg $0xFFFFFFFF  }
0xad: {  	[dreg:$0x0] =	wrdreg $0x60  }
0xae: {  	[dreg:$0x2] =	wrdreg s24  }
0xaf: {  	[dreg:$0x3] =	wrdreg $0x0  }
0xb0: {  	[dreg:$0x4] =	wrdreg $0x9  }
0xb1: {  	_ =	task.clear_ibuf [dreg:s6], $0x5FFFF;
	_ =	strace $0x90000049  }
0xb2: {  	s29 =	simm.s32 $0x9;
	_ =	strace $0x8000004B  }
0xb3: {  	_ =	swait.ge [sflag:s29], $0x1  }
0xb4: {  	[sflag:s29] =	ssyncadd.s32 $0xFFFFFFFF  }
0xb5: {  	_ =	strace $0x9000004B  }
0xb6: {  	_ =	sfence  }
0xb7: {  	s30 =	sld [smem:$0x0];
	_ =	sdelay $0x2  }
0xb8: {  	s31 =	sshll.u32 s1, $0xD;
	s1 =	sshrl.u32 s1, $0x2  }
0xb9: {  	s3 =	sand.u32 $0x4000, s31;
	s1 =	sadd.s32 s1, s30  }
0xba: {  	s0 =	sor.u32 s3, s0;
	s1 =	sshll.u32 s1, $0x11  }
0xbb: {  	s0 =	sor.u32 s1, s0  }
0xbc: {  	s0 =	sadd.s32 $0x8F2B, s0  }
0xbd: {  	[sflag:s0] =	ssyncadd.remote.s32 $0x1  }
0xbe: {  	_ =	sfence.sel $0xFFFF  }
0xbf: {  	[dreg:$0x0] =	wrdreg $0xFFFFFFFF;
	(pc) =	sbr.abs _section_cstart, $3  }
0xc0: {  	[dreg:$0x1] =	wrdreg $0xFFFFFFFF  }
0xc1: {  	_ =	task.clear_ibuf [dreg:s6], $0x2FFFF;
	_ =	strace $0x9FFFFFFF  }
0xc2: {  	(tm) =	ssettm $0x7FFFFFFF  }
0xc3: {  	_ =	shalt  }
tec
execute0_lowered:
.L_overlay_start_1:
0x0: {  	(tag) =	ssettag $0x1  }
0x1: {  	s0 =	srdreg.scid;
	s6 =	rddreg [dreg:$0x0]  }
0x2: {  	s2 =	rddreg [dreg:$0x1];
	s3 =	simm.s32 $0x0;
	s14 =	simm.s32 $0x5000  }
0x3: {  	s15 =	simm.s32 $0x13C00;
	s16 =	simm.s32 $0x40;
	s17 =	simm.s32 $0x18C00  }
0x4: {  	s18 =	simm.s32 $0x13C80;
	s19 =	simm.s32 $0x1AC00;
	s20 =	simm.s32 $0x1  }
0x5: {  	s21 =	simm.s32 $0x2;
	s5 =	sand.u32 $0x1, s0;
	s0 =	stileid.u32  }
0x6: {  	s22 =	simm.s32 $0x18B00;
	s23 =	simm.s32 $0x18B80;
	s8 =	smul.u32 $0x13C00, s0  }
0x7: {  	[smem:$0x7FF] =	sst s3;
	s4 =	sadd.s32 $0x2A200, s6;
	s9 =	smul.u32 $0x13C000, s5  }
0x8: {  	s1 =	sshll.u32 s5, $0x4;
	s5 =	ssub.s32 $0x2, s5;
	s10 =	smul.u32 $0x4F000, s0  }
0x9: {  	s31 =	sshll.u32 s0, $0x6;
	s1 =	sor.u32 s0, s1;
	s28 =	sshrl.u32 s5, $0x1  }
0xa: {  	s7 =	smul.u32 $0xA000, s1;
	s1 =	rddreg [dreg:$0x2];
	_ =	strace $0x8000004A  }
0xb: {  	s9 =	sadd.s32 s8, s9;
	s12 =	ssub.s32 s5, s28;
	s29 =	sshrl.u32 s10, $0x2  }
0xc: {  	s30 =	sshrl.u32 s8, $0x3;
	s9 =	sshrl.u32 s9, $0x3;
	s13 =	sadd.s32 s29, s2  }
0xd: {  	s5 =	sadd.s32 s4, s30;
	s10 =	smax.u32 s12, $0x1;
	s7 =	sshrl.u32 s7, $0x3  }
0xe: {  	s12 =	simm.s32 $0x3;
	s9 =	sadd.s32 s9, s6;
	s11 =	sadd.s32 s7, s6  }
0xf: {  	s6 =	sor.u32 $0x1C03, s31;
	s9 =	sadd.s32 $0xA0A00, s9;
	s7 =	sadd.s32 $0x2200, s11  }
0x10: {  	s8 =	sadd.s32 $0x2700, s11;
	s11 =	sshrl.u32 s13, $0x3;
	s13 =	simm.s32 $0x2800  }
.LBB2_1:
0x11: {  	[spmem:s11], [sflag:s6] =	dma.local [hbm:s5], $0x2780  }
0x12: {  	_ =	swait.ge [sflag:s12], $0x2780  }
0x13: {  	[sflag:s12] =	ssyncset.done $0x0  }
0x14: {  	[sflag:s12] =	ssyncadd.s32 $0xFFFFD880  }
0x15: {  	[bflag:$0x0] =	sbarrier.arrive $0xFFFF  }
0x16: {  	[tilespmem:s15], [sflag:$0x3] =	stream.strided.gather [hbm4b:s7+s13], $0x5000, s14, s13, $0x38;
	[tilespmem:$0x1CC00] =	vst v63  }
0x17: {  	_ =	swait.ge [sflag:s12], $0x5000  }
0x18: {  	[sflag:s12] =	ssyncset.done $0x0  }
0x19: {  	[sflag:s12] =	ssyncadd.s32 $0xFFFFB000  }
0x1a: {  	[tilespmem:s17], [sflag:$0x1] =	stream.indirect.gather [hbm4b:s4+s16], $0x80, s15, s16, $0xb8;
	[tilespmem:$0x1CC00] =	vst v63  }
0x1b: {  	_ = 	snop  }
0x1c: {  	[tilespmem:s19], [sflag:$0x2] =	stream.indirect.gather [hbm4b:s4+s16], $0x80, s18, s16, $0xb8;
	[tilespmem:$0x1CC00] =	vst v63  }
0x1d: {  	_ =	swait.ge [sflag:s20], $0x2000  }
0x1e: {  	[sflag:s20] =	ssyncset.done $0x0  }
0x1f: {  	s24 =	simm.s32 $0x16400;
	[sflag:s20] =	ssyncadd.s32 $0xFFFFE000  }
0x20: {  	[spmem:s2] =	stream.indirect.scatter.add.f32 [tilespmem:s17], [sflag:$0x3], $0x80, s24, s16, $0xb8;
	[tilespmem:$0x1CC00] =	vst v63  }
0x21: {  	_ =	swait.ge [sflag:s12], $0x2000  }
0x22: {  	[sflag:s12] =	ssyncset.done $0x0  }
0x23: {  	s30 =	simm.s32 $0x13D00;
	[sflag:s12] =	ssyncadd.s32 $0xFFFFE000  }
0x24: {  	[tilespmem:s17], [sflag:$0x1] =	stream.indirect.gather [hbm4b:s4+s16], $0x80, s30, s16, $0xb8;
	[tilespmem:$0x1CC00] =	vst v63  }
0x25: {  	_ =	swait.ge [sflag:s21], $0x2000  }
0x26: {  	[sflag:s21] =	ssyncset.done $0x0  }
0x27: {  	s31 =	simm.s32 $0x16480;
	[sflag:s21] =	ssyncadd.s32 $0xFFFFE000  }
0x28: {  	[spmem:s2] =	stream.indirect.scatter.add.f32 [tilespmem:s19], [sflag:$0x3], $0x80, s31, s16, $0xb8;
	[tilespmem:$0x1CC00] =	vst v63  }
0x29: {  	_ =	swait.ge [sflag:s12], $0x2000  }
0x2a: {  	[sflag:s12] =	ssyncset.done $0x0  }
0x2b: {  	s25 =	simm.s32 $0x13D80;
	s24 =	simm.s32 $0x800;
	[sflag:s12] =	ssyncadd.s32 $0xFFFFE000  }
.LBB2_2:
0x2c: {  	[tilespmem:s19], [sflag:$0x2] =	stream.indirect.gather [hbm4b:s4+s16], $0x80, s25, s16, $0xb8;
	[tilespmem:$0x1CC00] =	vst v63  }
0x2d: {  	s25 =	smov.u32 s24  }
0x2e: {  	p0 =	sne.s32 s24, $0x9C00;
	s24 =	sadd.s32 $0x400, s24;
	_ =	swait.ge [sflag:s20], $0x2000  }
0x2f: {  	s25 =	sshra.s32 s25, $0x2;
	[sflag:s20] =	ssyncset.done $0x0  }
0x30: {  	s26 =	sadd.s32 $0x16300, s25;
	[sflag:s20] =	ssyncadd.s32 $0xFFFFE000  }
0x31: {  	[spmem:s2] =	stream.indirect.scatter.add.f32 [tilespmem:s17], [sflag:$0x3], $0x80, s26, s16, $0xb8;
	[tilespmem:$0x1CC00] =	vst v63  }
0x32: {  	_ =	swait.ge [sflag:s12], $0x2000  }
0x33: {  	[sflag:s12] =	ssyncset.done $0x0  }
0x34: {  	s26 =	sadd.s32 $0x13C00, s25;
	[sflag:s12] =	ssyncadd.s32 $0xFFFFE000  }
0x35: {  	[tilespmem:s17], [sflag:$0x1] =	stream.indirect.gather [hbm4b:s4+s16], $0x80, s26, s16, $0xb8;
	[tilespmem:$0x1CC00] =	vst v63  }
0x36: {  	_ =	swait.ge [sflag:s21], $0x2000  }
0x37: {  	[sflag:s21] =	ssyncset.done $0x0  }
.Ltmp0:
0x38: {  	s26 =	sadd.s32 $0x16380, s25;
	[sflag:s21] =	ssyncadd.s32 $0xFFFFE000;
	(pc) =	sbr.rel @p0 .LBB2_2-.Ltmp0, $4  }
0x39: {  	[spmem:s2] =	stream.indirect.scatter.add.f32 [tilespmem:s19], [sflag:$0x3], $0x80, s26, s16, $0xb8;
	[tilespmem:$0x1CC00] =	vst v63  }
0x3a: {  	_ =	swait.ge [sflag:s12], $0x2000  }
0x3b: {  	[sflag:s12] =	ssyncset.done $0x0  }
0x3c: {  	s25 =	sadd.s32 $0x13C80, s25;
	[sflag:s12] =	ssyncadd.s32 $0xFFFFE000  }
0x3d: {  	[tilespmem:s19], [sflag:$0x2] =	stream.indirect.gather [hbm4b:s4+s16], $0x80, s25, s16, $0xb8;
	[tilespmem:$0x1CC00] =	vst v63  }
0x3e: {  	_ =	swait.ge [sflag:s20], $0x2000  }
0x3f: {  	[sflag:s20] =	ssyncset.done $0x0  }
0x40: {  	[sflag:s20] =	ssyncadd.s32 $0xFFFFE000  }
0x41: {  	[spmem:s2] =	stream.indirect.scatter.add.f32 [tilespmem:s17], [sflag:$0x3], $0x80, s22, s16, $0xb8;
	[tilespmem:$0x1CC00] =	vst v63  }
0x42: {  	_ =	swait.ge [sflag:s12], $0x2000  }
0x43: {  	[sflag:s12] =	ssyncset.done $0x0  }
0x44: {  	[sflag:s12] =	ssyncadd.s32 $0xFFFFE000  }
0x45: {  	_ =	swait.ge [sflag:s21], $0x2000  }
0x46: {  	[sflag:s21] =	ssyncset.done $0x0  }
0x47: {  	[sflag:s21] =	ssyncadd.s32 $0xFFFFE000  }
0x48: {  	[spmem:s2] =	stream.indirect.scatter.add.f32 [tilespmem:s19], [sflag:$0x3], $0x80, s23, s16, $0xb8;
	[tilespmem:$0x1CC00] =	vst v63  }
0x49: {  	_ =	swait.ge [sflag:s12], $0x2000  }
0x4a: {  	[sflag:s12] =	ssyncset.done $0x0  }
0x4b: {  	[sflag:s12] =	ssyncadd.s32 $0xFFFFE000  }
0x4c: {  	[tilespmem:s15], [sflag:$0x3] =	stream.strided.gather [hbm4b:s8+s13], $0x5000, s14, s13, $0x38;
	[tilespmem:$0x1CC00] =	vst v63  }
0x4d: {  	_ =	swait.ge [sflag:s12], $0x5000  }
0x4e: {  	[sflag:s12] =	ssyncset.done $0x0  }
0x4f: {  	[sflag:s12] =	ssyncadd.s32 $0xFFFFB000  }
0x50: {  	[tilespmem:s17], [sflag:$0x1] =	stream.indirect.gather [hbm4b:s4+s16], $0x80, s15, s16, $0xb8;
	[tilespmem:$0x1CC00] =	vst v63  }
0x51: {  	_ = 	snop  }
0x52: {  	[tilespmem:s19], [sflag:$0x2] =	stream.indirect.gather [hbm4b:s4+s16], $0x80, s18, s16, $0xb8;
	[tilespmem:$0x1CC00] =	vst v63  }
0x53: {  	_ =	swait.ge [sflag:s20], $0x2000  }
0x54: {  	[sflag:s20] =	ssyncset.done $0x0  }
0x55: {  	s24 =	simm.s32 $0x16400;
	[sflag:s20] =	ssyncadd.s32 $0xFFFFE000  }
0x56: {  	[spmem:s2] =	stream.indirect.scatter.add.f32 [tilespmem:s17], [sflag:$0x3], $0x80, s24, s16, $0xb8;
	[tilespmem:$0x1CC00] =	vst v63  }
0x57: {  	_ =	swait.ge [sflag:s12], $0x2000  }
0x58: {  	[sflag:s12] =	ssyncset.done $0x0  }
0x59: {  	s30 =	simm.s32 $0x13D00;
	[sflag:s12] =	ssyncadd.s32 $0xFFFFE000  }
0x5a: {  	[tilespmem:s17], [sflag:$0x1] =	stream.indirect.gather [hbm4b:s4+s16], $0x80, s30, s16, $0xb8;
	[tilespmem:$0x1CC00] =	vst v63  }
0x5b: {  	_ =	swait.ge [sflag:s21], $0x2000  }
0x5c: {  	[sflag:s21] =	ssyncset.done $0x0  }
0x5d: {  	s31 =	simm.s32 $0x16480;
	[sflag:s21] =	ssyncadd.s32 $0xFFFFE000  }
0x5e: {  	[spmem:s2] =	stream.indirect.scatter.add.f32 [tilespmem:s19], [sflag:$0x3], $0x80, s31, s16, $0xb8;
	[tilespmem:$0x1CC00] =	vst v63  }
0x5f: {  	_ =	swait.ge [sflag:s12], $0x2000  }
0x60: {  	[sflag:s12] =	ssyncset.done $0x0  }
0x61: {  	s25 =	simm.s32 $0x13D80;
	s24 =	simm.s32 $0x800;
	[sflag:s12] =	ssyncadd.s32 $0xFFFFE000  }
.LBB2_4:
0x62: {  	[tilespmem:s19], [sflag:$0x2] =	stream.indirect.gather [hbm4b:s4+s16], $0x80, s25, s16, $0xb8;
	[tilespmem:$0x1CC00] =	vst v63  }
0x63: {  	s25 =	smov.u32 s24  }
0x64: {  	p0 =	sne.s32 s24, $0x9C00;
	s24 =	sadd.s32 $0x400, s24;
	_ =	swait.ge [sflag:s20], $0x2000  }
0x65: {  	s25 =	sshra.s32 s25, $0x2;
	[sflag:s20] =	ssyncset.done $0x0  }
0x66: {  	s26 =	sadd.s32 $0x16300, s25;
	[sflag:s20] =	ssyncadd.s32 $0xFFFFE000  }
0x67: {  	[spmem:s2] =	stream.indirect.scatter.add.f32 [tilespmem:s17], [sflag:$0x3], $0x80, s26, s16, $0xb8;
	[tilespmem:$0x1CC00] =	vst v63  }
0x68: {  	_ =	swait.ge [sflag:s12], $0x2000  }
0x69: {  	[sflag:s12] =	ssyncset.done $0x0  }
0x6a: {  	s26 =	sadd.s32 $0x13C00, s25;
	[sflag:s12] =	ssyncadd.s32 $0xFFFFE000  }
0x6b: {  	[tilespmem:s17], [sflag:$0x1] =	stream.indirect.gather [hbm4b:s4+s16], $0x80, s26, s16, $0xb8;
	[tilespmem:$0x1CC00] =	vst v63  }
0x6c: {  	_ =	swait.ge [sflag:s21], $0x2000  }
0x6d: {  	[sflag:s21] =	ssyncset.done $0x0  }
.Ltmp1:
0x6e: {  	s26 =	sadd.s32 $0x16380, s25;
	[sflag:s21] =	ssyncadd.s32 $0xFFFFE000;
	(pc) =	sbr.rel @p0 .LBB2_4-.Ltmp1, $4  }
0x6f: {  	[spmem:s2] =	stream.indirect.scatter.add.f32 [tilespmem:s19], [sflag:$0x3], $0x80, s26, s16, $0xb8;
	[tilespmem:$0x1CC00] =	vst v63  }
0x70: {  	_ =	swait.ge [sflag:s12], $0x2000  }
0x71: {  	[sflag:s12] =	ssyncset.done $0x0  }
0x72: {  	s25 =	sadd.s32 $0x13C80, s25;
	[sflag:s12] =	ssyncadd.s32 $0xFFFFE000  }
0x73: {  	[tilespmem:s19], [sflag:$0x2] =	stream.indirect.gather [hbm4b:s4+s16], $0x80, s25, s16, $0xb8;
	[tilespmem:$0x1CC00] =	vst v63  }
0x74: {  	_ =	swait.ge [sflag:s20], $0x2000  }
0x75: {  	[sflag:s20] =	ssyncset.done $0x0  }
0x76: {  	[sflag:s20] =	ssyncadd.s32 $0xFFFFE000  }
0x77: {  	[spmem:s2] =	stream.indirect.scatter.add.f32 [tilespmem:s17], [sflag:$0x3], $0x80, s22, s16, $0xb8;
	[tilespmem:$0x1CC00] =	vst v63  }
0x78: {  	_ =	swait.ge [sflag:s12], $0x2000  }
0x79: {  	[sflag:s12] =	ssyncset.done $0x0  }
0x7a: {  	[sflag:s12] =	ssyncadd.s32 $0xFFFFE000  }
0x7b: {  	_ =	swait.ge [sflag:s21], $0x2000  }
0x7c: {  	[sflag:s21] =	ssyncset.done $0x0  }
0x7d: {  	[sflag:s21] =	ssyncadd.s32 $0xFFFFE000  }
0x7e: {  	[spmem:s2] =	stream.indirect.scatter.add.f32 [tilespmem:s19], [sflag:$0x3], $0x80, s23, s16, $0xb8;
	[tilespmem:$0x1CC00] =	vst v63  }
0x7f: {  	_ =	swait.ge [sflag:s12], $0x2000  }
0x80: {  	s3 =	sadd.s32 $0x1, s3;
	[sflag:s12] =	ssyncset.done $0x0  }
0x81: {  	p0 =	sne.s32 s3, s10;
	[sflag:s12] =	ssyncadd.s32 $0xFFFFE000  }
.Ltmp2:
0x82: {  	[bflag:$0x0] =	sbarrier.arrive $0xFFFF;
	(pc) =	sbr.rel @p0 .LBB2_1-.Ltmp2, $4  }
0x83: {  	[hbm:s9], [sflag:s6] =	dma.local [spmem:s11], $0x2780  }
0x84: {  	_ =	swait.ge [sflag:s12], $0x2780  }
0x85: {  	[sflag:s12] =	ssyncset.done $0x0  }
0x86: {  	[sflag:s12] =	ssyncadd.s32 $0xFFFFD880  }
0x87: {  	_ =	sfence.sel $0x180000  }
0x88: {  	[bflag:$0x0] =	sbarrier.arrive $0xFFFF  }
0x89: {  	p0 =	sne.s32 s0, $0x0;
	_ =	strace $0x9000004A  }
0x8a: {  	s0 =	sadd.s32 @!p0 $0x100000, s1;
	[bflag:$0x2] =	sbarrier.arrive $0xFFFF  }
0x8b: {  	[sflag:s0] =	ssyncadd.tile.s32 @!p0 $0x1;
	_ =	shalt  }
.Lfunc_end2:
_tile_overlayer_lowered:
.L_overlay_start_2:
0x8c: {  	(tag) =	ssettag $0x2  }
0x8d: {  	s0 =	rddreg [dreg:$0x0];
	s2 =	stileid.u32  }
0x8e: {  	s1 =	rddreg [dreg:$0x1];
	p0 =	sne.s32 s2, $0x0  }
0x8f: {  	s3 =	rddreg [dreg:$0x2];
	[bflag:$0x3] =	sbarrier.arrive $0xFFFF;
	s2 =	simm.s32 @!p0 $0x1C03  }
0x90: {  	[timem:s3], [sflag:s2] =	dma.local @!p0 [hbm:s0], s1  }
0x91: {  	s0 =	simm.s32 @!p0 $0x3  }
0x92: {  	_ =	swait.ge @!p0 [sflag:s0], s1  }
0x93: {  	s1 =	ssub.s32 @!p0 $0x0, s1;
	[sflag:s0] =	ssyncset.done @!p0 $0x0  }
0x94: {  	[sflag:s0] =	ssyncadd.s32 @!p0 s1  }
0x95: {  	[bflag:$0x3] =	sbarrier.arrive $0xFFFF  }
0x96: {  	_ =	shalt  }

// kernel: kernel.14.cloned.1.call-start
scs
__scs_entry_jumppad:
0x0: {  	(pc) =	sbr.rel $0x88, $3  }
0x1: {  	(tag) =	ssettag $0x0;
	lr =	simm.s32 $0x1  }
0x2: {  	[smem:$0x3F9B] =	sst lr;
	_ =	strace $0xD0000000  }
0x3: {  	_ = 	snop  }
0x4: {  	_ = 	snop  }
0x5: {  	_ = 	snop  }
0x6: {  	_ = 	snop  }
0x7: {  	_ = 	snop  }
__scs_overlays_trampoline_lowered:
0x8: {  	[smem:$0x3FAA] =	sst s0  }
0x9: {  	[smem:$0x3FAB] =	sst s1  }
0xa: {  	[smem:$0x3FAC] =	sst s2  }
0xb: {  	[smem:$0x3FAD] =	sst s3  }
0xc: {  	[smem:$0x3FAE] =	sst s4  }
0xd: {  	[smem:$0x3FAF] =	sst s5  }
0xe: {  	[smem:$0x3FB0] =	sst s6  }
0xf: {  	[smem:$0x3FB1] =	sst s7  }
0x10: {  	[smem:$0x3FB2] =	sst s8  }
0x11: {  	[smem:$0x3FB3] =	sst s9;
	s0 =	simm.s32 @!p0 $0x0  }
0x12: {  	s1 =	sld [smem:$0x3F99];
	s0 =	simm.s32 @p0 $0x1  }
0x13: {  	[smem:$0x3FB4] =	sst s0;
	s0 =	simm.s32 @!p1 $0x0  }
0x14: {  	s2 =	sld [smem:$0x3F98];
	s0 =	simm.s32 @p1 $0x1  }
0x15: {  	[smem:$0x3FB5] =	sst s0;
	s0 =	simm.s32 @!p2 $0x0  }
0x16: {  	s3 =	sld [smem:$0x3FDB];
	s0 =	simm.s32 @p2 $0x1  }
0x17: {  	s4 =	simm.s32 $0x1BF5;
	[smem:$0x3FB7] =	sst s0  }
0x18: {  	s0 =	sld [smem:$0x3F9A];
	_ =	swait.ge [sflag:s4], $0x0  }
0x19: {  	s7 =	sld [smem:$0x3F9B]  }
0x1a: {  	s8 =	sadd.s32 $0xFFFFE003, lr  }
0x1b: {  	s9 =	sadd.s32 $0xFFFFFEF7, lr;
	s5 =	simm.s32 $0xFFFFFFFF;
	p2 =	slt.u32 s8, $0xFFFFF086  }
0x1c: {  	p1 =	slt.u32 s9, $0xF7A;
	s5 =	simm.s32 @!p2 $0x0  }
0x1d: {  	s5 =	simm.s32 @p1 $0x1;
	p0 =	seq.s32 s7, s2  }
0x1e: {  	s7 =	smul.u32 @!p0 $0xF7A, s2;
	p2 =	seq.s32 @!p0 s5, $0x0  }
0x1f: {  	s9 =	smul.u32 $0xF7A, s1;
	s8 =	simm.s32 @!p0 $0x1BF5;
	p2 =	por !p2, p0  }
0x20: {  	[sflag:s8] =	ssyncset.s32 @!p0 $0xFFFFF086;
	s6 =	sadd.s32 @!p0 s3, s7;
	s7 =	simm.s32 @!p0 $0x108  }
0x21: {  	s3 =	sadd.s32 s3, s9;
	s6 =	sadd.s32 @!p0 $0x88, s6;
	s7 =	simm.s32 @p2 $0x1082  }
0x22: {  	[simem:s7], [sflag:s8] =	dma.local @!p0 [hbm:s6], $0xF7A  }
0x23: {  	s9 =	sor.u32 $0xD0000000, s2;
	s6 =	simm.s32 $0x108;
	_ =	swait.ge @!p0 [sflag:s8], $0x0  }
0x24: {  	s3 =	sadd.s32 $0x88, s3;
	s6 =	simm.s32 @!p1 $0x1082;
	[sflag:s4] =	ssyncset.s32 $0xFFFFF086  }
0x25: {  	[simem:s6], [sflag:s4] =	dma.local [hbm:s3], $0xF7A  }
0x26: {  	[smem:$0x3F9B] =	sst s1;
	(tag) =	ssettag s2;
	_ =	strace s9  }
0x27: {  	s1 =	sld [smem:$0x3FAB]  }
0x28: {  	s2 =	sld [smem:$0x3FAC]  }
0x29: {  	s4 =	sld [smem:$0x3FAE]  }
0x2a: {  	p0 =	seq.s32 s5, $0x0;
	s5 =	sld [smem:$0x3FAF]  }
0x2b: {  	s6 =	sld [smem:$0x3FB0]  }
0x2c: {  	s7 =	sld [smem:$0x3FB1]  }
0x2d: {  	s3 =	simm.s32 $0x108;
	s8 =	sld [smem:$0x3FB2]  }
0x2e: {  	s3 =	simm.s32 @!p0 $0x1082;
	s9 =	sld [smem:$0x3FB3]  }
0x2f: {  	lr =	sadd.s32 s0, s3;
	s0 =	sld [smem:$0x3FAA]  }
0x30: {  	s3 =	sld [smem:$0x3FAD]  }
0x31: {  	[smem:$0x3FB6] =	sst s10  }
0x32: {  	s10 =	sld [smem:$0x3FB4];
	_ =	sdelay $0x3  }
0x33: {  	p0 =	seq.s32 s10, $0x1;
	s10 =	sld [smem:$0x3FB6];
	_ =	sdelay $0x3  }
0x34: {  	[smem:$0x3FB6] =	sst s10  }
0x35: {  	s10 =	sld [smem:$0x3FB5];
	_ =	sdelay $0x3  }
0x36: {  	p1 =	seq.s32 s10, $0x1;
	s10 =	sld [smem:$0x3FB6];
	_ =	sdelay $0x3  }
0x37: {  	[smem:$0x3FB6] =	sst s10  }
0x38: {  	s10 =	sld [smem:$0x3FB7]  }
0x39: {  	_ = 	snop;
	(pc) =	sbr.ind lr, $3  }
0x3a: {  	_ = 	snop  }
0x3b: {  	_ = 	snop  }
0x3c: {  	p2 =	seq.s32 s10, $0x1;
	s10 =	sld [smem:$0x3FB6]  }
0x3d: {  	_ =	shalt  }
0x3e: {  	_ =	shalt  }
0x3f: {  	_ =	shalt  }
0x40: {  	_ =	shalt  }
0x41: {  	_ =	shalt  }
0x42: {  	_ =	shalt  }
0x43: {  	_ =	shalt  }
0x44: {  	_ =	shalt  }
0x45: {  	_ =	shalt  }
0x46: {  	_ =	shalt  }
0x47: {  	_ =	shalt  }
0x48: {  	_ =	shalt  }
0x49: {  	_ =	shalt  }
0x4a: {  	_ =	shalt  }
0x4b: {  	_ =	shalt  }
0x4c: {  	_ =	shalt  }
0x4d: {  	_ =	shalt  }
0x4e: {  	_ =	shalt  }
0x4f: {  	_ =	shalt  }
0x50: {  	_ =	shalt  }
0x51: {  	_ =	shalt  }
0x52: {  	_ =	shalt  }
0x53: {  	_ =	shalt  }
0x54: {  	_ =	shalt  }
0x55: {  	_ =	shalt  }
0x56: {  	_ =	shalt  }
0x57: {  	_ =	shalt  }
0x58: {  	_ =	shalt  }
0x59: {  	_ =	shalt  }
0x5a: {  	_ =	shalt  }
0x5b: {  	_ =	shalt  }
0x5c: {  	_ =	shalt  }
0x5d: {  	_ =	shalt  }
0x5e: {  	_ =	shalt  }
0x5f: {  	_ =	shalt  }
0x60: {  	_ =	shalt  }
0x61: {  	_ =	shalt  }
0x62: {  	_ =	shalt  }
0x63: {  	_ =	shalt  }
0x64: {  	_ =	shalt  }
0x65: {  	_ =	shalt  }
0x66: {  	_ =	shalt  }
0x67: {  	_ =	shalt  }
0x68: {  	_ =	shalt  }
0x69: {  	_ =	shalt  }
0x6a: {  	_ =	shalt  }
0x6b: {  	_ =	shalt  }
0x6c: {  	_ =	shalt  }
0x6d: {  	_ =	shalt  }
0x6e: {  	_ =	shalt  }
0x6f: {  	_ =	shalt  }
0x70: {  	_ =	shalt  }
0x71: {  	_ =	shalt  }
0x72: {  	_ =	shalt  }
0x73: {  	_ =	shalt  }
0x74: {  	_ =	shalt  }
0x75: {  	_ =	shalt  }
0x76: {  	_ =	shalt  }
0x77: {  	_ =	shalt  }
0x78: {  	_ =	shalt  }
0x79: {  	_ =	shalt  }
0x7a: {  	_ =	shalt  }
0x7b: {  	_ =	shalt  }
0x7c: {  	_ =	shalt  }
0x7d: {  	_ =	shalt  }
0x7e: {  	_ =	shalt  }
0x7f: {  	_ =	shalt  }
0x80: {  	_ =	shalt  }
0x81: {  	_ =	shalt  }
0x82: {  	_ =	shalt  }
0x83: {  	_ =	shalt  }
0x84: {  	_ =	shalt  }
0x85: {  	_ =	shalt  }
0x86: {  	_ =	shalt  }
0x87: {  	_ =	shalt  }
.Lfunc_end0:
.L_simem_size_0:
called_computation.2_lowered:
.L_overlay_start_0:
0x88: {  	s2 =	sld [smem:$0x3FD9]  }
0x89: {  	s3 =	sld [smem:$0x3FFE];
	_ =	sdelay $0x1  }
0x8a: {  	s1 =	srdreg.scid  }
0x8b: {  	s0 =	sand.u32 $0x1, s1  }
0x8c: {  	s16 =	sshll.u32 s0, $0xA;
	s2 =	sadd.s32 s3, s2  }
0x8d: {  	s2 =	sadd.s32 s2, s16  }
0x8e: {  	[smem:$0x3FC2] =	sst s2  }
0x8f: {  	_ = 	snop  }
0x90: {  	(tm) =	ssettm $0x1  }
0x91: {  	s17 =	sld [smem:$0x3FFB];
	_ =	sdelay $0x3  }
0x92: {  	_ =	strace s17  }
0x93: {  	s2 =	sld [smem:$0x3FFC];
	_ =	sdelay $0x3  }
0x94: {  	_ =	strace s2  }
0x95: {  	s2 =	sld [smem:$0x3FFD];
	_ =	sdelay $0x3  }
0x96: {  	_ =	strace s2  }
0x97: {  	_ =	strace $0x8FFFFFFF  }
0x98: {  	s18 =	sld [smem:$0x3FDB];
	_ =	sdelay $0x1  }
0x99: {  	s19 =	simm.s32 $_scs_section_size  }
0x9a: {  	s4 =	simm.s32 $_size__tile_overlayer_lowered;
	s5 =	simm.s32 $_tile_overlayer_lowered  }
0x9b: {  	s22 =	simm.s32 $0x1BFF;
	s21 =	sshll.u32 s5, $0x1;
	s2 =	sadd.s32 s19, s18  }
0x9c: {  	s6 =	simm.s32 $0x0;
	s20 =	sshll.u32 s4, $0x1;
	s4 =	sadd.s32 s21, s2  }
0x9d: {  	[timem:s6], [sflag:s22] =	dma.local [hbm:s4], s20  }
0x9e: {  	_ =	swait.ge [sflag:s22], s20  }
0x9f: {  	s3 =	ssub.s32 $0x0, s20;
	[sflag:s22] =	ssyncset.done $0x0  }
0xa0: {  	[sflag:s22] =	ssyncadd.s32 s3;
	_ =	sdelay $0x1  }
0xa1: {  	s23 =	simm.s32 $0x1B8B  }
0xa2: {  	_ =	swait.ge [sflag:s23], $0x1  }
0xa3: {  	[sflag:s23] =	ssyncset.done $0x0  }
0xa4: {  	s25 =	simm.s32 $0x1B8E;
	s24 =	sld [smem:$0x3FFE];
	[sflag:s23] =	ssyncadd.s32 $0xFFFFFFFF  }
0xa5: {  	s26 =	simm.s32 $execute0_lowered;
	[smem:$0x3FD2] =	sst s25  }
0xa6: {  	s4 =	sshll.u32 s26, $0x1;
	_ =	strace $0x8000004C;
	[dreg:$0x1] =	wrdreg $0xFFFFFFFF  }
0xa7: {  	s28 =	simm.s32 $_size_execute0_lowered;
	s2 =	sadd.s32 s2, s4;
	[dreg:$0x0] =	wrdreg $0x0  }
0xa8: {  	s4 =	sshll.u32 s28, $0x1;
	[dreg:$0x2] =	wrdreg s2  }
0xa9: {  	[dreg:$0x3] =	wrdreg s4  }
0xaa: {  	[dreg:$0x4] =	wrdreg $0xC0  }
0xab: {  	_ =	task [dreg:s6], $0x5FFFF  }
0xac: {  	[dreg:$0x1] =	wrdreg $0xFFFFFFFF  }
0xad: {  	[dreg:$0x0] =	wrdreg $0x60  }
0xae: {  	[dreg:$0x2] =	wrdreg s24  }
0xaf: {  	[dreg:$0x3] =	wrdreg $0x0  }
0xb0: {  	[dreg:$0x4] =	wrdreg $0x9  }
0xb1: {  	_ =	task.clear_ibuf [dreg:s6], $0x5FFFF;
	_ =	strace $0x9000004C  }
0xb2: {  	s29 =	simm.s32 $0x9;
	_ =	strace $0x8000004E  }
0xb3: {  	_ =	swait.ge [sflag:s29], $0x1  }
0xb4: {  	[sflag:s29] =	ssyncadd.s32 $0xFFFFFFFF  }
0xb5: {  	_ =	strace $0x9000004E  }
0xb6: {  	_ =	sfence  }
0xb7: {  	s30 =	sld [smem:$0x0];
	_ =	sdelay $0x2  }
0xb8: {  	s31 =	sshll.u32 s1, $0xD;
	s1 =	sshrl.u32 s1, $0x2  }
0xb9: {  	s3 =	sand.u32 $0x4000, s31;
	s1 =	sadd.s32 s1, s30  }
0xba: {  	s0 =	sor.u32 s3, s0;
	s1 =	sshll.u32 s1, $0x11  }
0xbb: {  	s0 =	sor.u32 s1, s0  }
0xbc: {  	s0 =	sadd.s32 $0x8F2B, s0  }
0xbd: {  	[sflag:s0] =	ssyncadd.remote.s32 $0x1  }
0xbe: {  	_ =	sfence.sel $0xFFFF  }
0xbf: {  	[dreg:$0x0] =	wrdreg $0xFFFFFFFF;
	(pc) =	sbr.abs _section_cstart, $3  }
0xc0: {  	[dreg:$0x1] =	wrdreg $0xFFFFFFFF  }
0xc1: {  	_ =	task.clear_ibuf [dreg:s6], $0x2FFFF;
	_ =	strace $0x9FFFFFFF  }
0xc2: {  	(tm) =	ssettm $0x7FFFFFFF  }
0xc3: {  	_ =	shalt  }
tec
execute0_lowered:
.L_overlay_start_1:
0x0: {  	(tag) =	ssettag $0x1  }
0x1: {  	s0 =	srdreg.scid;
	s6 =	rddreg [dreg:$0x0]  }
0x2: {  	s2 =	rddreg [dreg:$0x1];
	s3 =	simm.s32 $0x0;
	s14 =	simm.s32 $0x5000  }
0x3: {  	s15 =	simm.s32 $0x13C00;
	s16 =	simm.s32 $0x40;
	s17 =	simm.s32 $0x18C00  }
0x4: {  	s18 =	simm.s32 $0x13C80;
	s19 =	simm.s32 $0x1AC00;
	s20 =	simm.s32 $0x1  }
0x5: {  	s21 =	simm.s32 $0x2;
	s5 =	sand.u32 $0x1, s0;
	s0 =	stileid.u32  }
0x6: {  	s22 =	simm.s32 $0x18B00;
	s23 =	simm.s32 $0x18B80;
	s8 =	smul.u32 $0x13C00, s0  }
0x7: {  	[smem:$0x7FF] =	sst s3;
	s4 =	sadd.s32 $0x2A200, s6;
	s9 =	smul.u32 $0x13C000, s5  }
0x8: {  	s1 =	sshll.u32 s5, $0x4;
	s5 =	ssub.s32 $0x2, s5;
	s10 =	smul.u32 $0x4F000, s0  }
0x9: {  	s31 =	sshll.u32 s0, $0x6;
	s1 =	sor.u32 s0, s1;
	s28 =	sshrl.u32 s5, $0x1  }
0xa: {  	s7 =	smul.u32 $0xA000, s1;
	s1 =	rddreg [dreg:$0x2];
	_ =	strace $0x8000004D  }
0xb: {  	s9 =	sadd.s32 s8, s9;
	s12 =	ssub.s32 s5, s28;
	s29 =	sshrl.u32 s10, $0x2  }
0xc: {  	s30 =	sshrl.u32 s8, $0x3;
	s9 =	sshrl.u32 s9, $0x3;
	s13 =	sadd.s32 s29, s2  }
0xd: {  	s5 =	sadd.s32 s4, s30;
	s10 =	smax.u32 s12, $0x1;
	s7 =	sshrl.u32 s7, $0x3  }
0xe: {  	s12 =	simm.s32 $0x3;
	s9 =	sadd.s32 s9, s6;
	s11 =	sadd.s32 s7, s6  }
0xf: {  	s6 =	sor.u32 $0x1C03, s31;
	s9 =	sadd.s32 $0xA0A00, s9;
	s7 =	sadd.s32 $0x2200, s11  }
0x10: {  	s8 =	sadd.s32 $0x2700, s11;
	s11 =	sshrl.u32 s13, $0x3;
	s13 =	simm.s32 $0x2800  }
.LBB2_1:
0x11: {  	[spmem:s11], [sflag:s6] =	dma.local [hbm:s5], $0x2780  }
0x12: {  	_ =	swait.ge [sflag:s12], $0x2780  }
0x13: {  	[sflag:s12] =	ssyncset.done $0x0  }
0x14: {  	[sflag:s12] =	ssyncadd.s32 $0xFFFFD880  }
0x15: {  	[bflag:$0x0] =	sbarrier.arrive $0xFFFF  }
0x16: {  	[tilespmem:s15], [sflag:$0x3] =	stream.strided.gather [hbm4b:s7+s13], $0x5000, s14, s13, $0x38;
	[tilespmem:$0x1CC00] =	vst v63  }
0x17: {  	_ =	swait.ge [sflag:s12], $0x5000  }
0x18: {  	[sflag:s12] =	ssyncset.done $0x0  }
0x19: {  	[sflag:s12] =	ssyncadd.s32 $0xFFFFB000  }
0x1a: {  	[tilespmem:s17], [sflag:$0x1] =	stream.indirect.gather [hbm4b:s4+s16], $0x80, s15, s16, $0xb8;
	[tilespmem:$0x1CC00] =	vst v63  }
0x1b: {  	_ = 	snop  }
0x1c: {  	[tilespmem:s19], [sflag:$0x2] =	stream.indirect.gather [hbm4b:s4+s16], $0x80, s18, s16, $0xb8;
	[tilespmem:$0x1CC00] =	vst v63  }
0x1d: {  	_ =	swait.ge [sflag:s20], $0x2000  }
0x1e: {  	[sflag:s20] =	ssyncset.done $0x0  }
0x1f: {  	s24 =	simm.s32 $0x16400;
	[sflag:s20] =	ssyncadd.s32 $0xFFFFE000  }
0x20: {  	[spmem:s2] =	stream.indirect.scatter.add.f32 [tilespmem:s17], [sflag:$0x3], $0x80, s24, s16, $0xb8;
	[tilespmem:$0x1CC00] =	vst v63  }
0x21: {  	_ =	swait.ge [sflag:s12], $0x2000  }
0x22: {  	[sflag:s12] =	ssyncset.done $0x0  }
0x23: {  	s30 =	simm.s32 $0x13D00;
	[sflag:s12] =	ssyncadd.s32 $0xFFFFE000  }
0x24: {  	[tilespmem:s17], [sflag:$0x1] =	stream.indirect.gather [hbm4b:s4+s16], $0x80, s30, s16, $0xb8;
	[tilespmem:$0x1CC00] =	vst v63  }
0x25: {  	_ =	swait.ge [sflag:s21], $0x2000  }
0x26: {  	[sflag:s21] =	ssyncset.done $0x0  }
0x27: {  	s31 =	simm.s32 $0x16480;
	[sflag:s21] =	ssyncadd.s32 $0xFFFFE000  }
0x28: {  	[spmem:s2] =	stream.indirect.scatter.add.f32 [tilespmem:s19], [sflag:$0x3], $0x80, s31, s16, $0xb8;
	[tilespmem:$0x1CC00] =	vst v63  }
0x29: {  	_ =	swait.ge [sflag:s12], $0x2000  }
0x2a: {  	[sflag:s12] =	ssyncset.done $0x0  }
0x2b: {  	s25 =	simm.s32 $0x13D80;
	s24 =	simm.s32 $0x800;
	[sflag:s12] =	ssyncadd.s32 $0xFFFFE000  }
.LBB2_2:
0x2c: {  	[tilespmem:s19], [sflag:$0x2] =	stream.indirect.gather [hbm4b:s4+s16], $0x80, s25, s16, $0xb8;
	[tilespmem:$0x1CC00] =	vst v63  }
0x2d: {  	s25 =	smov.u32 s24  }
0x2e: {  	p0 =	sne.s32 s24, $0x9C00;
	s24 =	sadd.s32 $0x400, s24;
	_ =	swait.ge [sflag:s20], $0x2000  }
0x2f: {  	s25 =	sshra.s32 s25, $0x2;
	[sflag:s20] =	ssyncset.done $0x0  }
0x30: {  	s26 =	sadd.s32 $0x16300, s25;
	[sflag:s20] =	ssyncadd.s32 $0xFFFFE000  }
0x31: {  	[spmem:s2] =	stream.indirect.scatter.add.f32 [tilespmem:s17], [sflag:$0x3], $0x80, s26, s16, $0xb8;
	[tilespmem:$0x1CC00] =	vst v63  }
0x32: {  	_ =	swait.ge [sflag:s12], $0x2000  }
0x33: {  	[sflag:s12] =	ssyncset.done $0x0  }
0x34: {  	s26 =	sadd.s32 $0x13C00, s25;
	[sflag:s12] =	ssyncadd.s32 $0xFFFFE000  }
0x35: {  	[tilespmem:s17], [sflag:$0x1] =	stream.indirect.gather [hbm4b:s4+s16], $0x80, s26, s16, $0xb8;
	[tilespmem:$0x1CC00] =	vst v63  }
0x36: {  	_ =	swait.ge [sflag:s21], $0x2000  }
0x37: {  	[sflag:s21] =	ssyncset.done $0x0  }
.Ltmp0:
0x38: {  	s26 =	sadd.s32 $0x16380, s25;
	[sflag:s21] =	ssyncadd.s32 $0xFFFFE000;
	(pc) =	sbr.rel @p0 .LBB2_2-.Ltmp0, $4  }
0x39: {  	[spmem:s2] =	stream.indirect.scatter.add.f32 [tilespmem:s19], [sflag:$0x3], $0x80, s26, s16, $0xb8;
	[tilespmem:$0x1CC00] =	vst v63  }
0x3a: {  	_ =	swait.ge [sflag:s12], $0x2000  }
0x3b: {  	[sflag:s12] =	ssyncset.done $0x0  }
0x3c: {  	s25 =	sadd.s32 $0x13C80, s25;
	[sflag:s12] =	ssyncadd.s32 $0xFFFFE000  }
0x3d: {  	[tilespmem:s19], [sflag:$0x2] =	stream.indirect.gather [hbm4b:s4+s16], $0x80, s25, s16, $0xb8;
	[tilespmem:$0x1CC00] =	vst v63  }
0x3e: {  	_ =	swait.ge [sflag:s20], $0x2000  }
0x3f: {  	[sflag:s20] =	ssyncset.done $0x0  }
0x40: {  	[sflag:s20] =	ssyncadd.s32 $0xFFFFE000  }
0x41: {  	[spmem:s2] =	stream.indirect.scatter.add.f32 [tilespmem:s17], [sflag:$0x3], $0x80, s22, s16, $0xb8;
	[tilespmem:$0x1CC00] =	vst v63  }
0x42: {  	_ =	swait.ge [sflag:s12], $0x2000  }
0x43: {  	[sflag:s12] =	ssyncset.done $0x0  }
0x44: {  	[sflag:s12] =	ssyncadd.s32 $0xFFFFE000  }
0x45: {  	_ =	swait.ge [sflag:s21], $0x2000  }
0x46: {  	[sflag:s21] =	ssyncset.done $0x0  }
0x47: {  	[sflag:s21] =	ssyncadd.s32 $0xFFFFE000  }
0x48: {  	[spmem:s2] =	stream.indirect.scatter.add.f32 [tilespmem:s19], [sflag:$0x3], $0x80, s23, s16, $0xb8;
	[tilespmem:$0x1CC00] =	vst v63  }
0x49: {  	_ =	swait.ge [sflag:s12], $0x2000  }
0x4a: {  	[sflag:s12] =	ssyncset.done $0x0  }
0x4b: {  	[sflag:s12] =	ssyncadd.s32 $0xFFFFE000  }
0x4c: {  	[tilespmem:s15], [sflag:$0x3] =	stream.strided.gather [hbm4b:s8+s13], $0x5000, s14, s13, $0x38;
	[tilespmem:$0x1CC00] =	vst v63  }
0x4d: {  	_ =	swait.ge [sflag:s12], $0x5000  }
0x4e: {  	[sflag:s12] =	ssyncset.done $0x0  }
0x4f: {  	[sflag:s12] =	ssyncadd.s32 $0xFFFFB000  }
0x50: {  	[tilespmem:s17], [sflag:$0x1] =	stream.indirect.gather [hbm4b:s4+s16], $0x80, s15, s16, $0xb8;
	[tilespmem:$0x1CC00] =	vst v63  }
0x51: {  	_ = 	snop  }
0x52: {  	[tilespmem:s19], [sflag:$0x2] =	stream.indirect.gather [hbm4b:s4+s16], $0x80, s18, s16, $0xb8;
	[tilespmem:$0x1CC00] =	vst v63  }
0x53: {  	_ =	swait.ge [sflag:s20], $0x2000  }
0x54: {  	[sflag:s20] =	ssyncset.done $0x0  }
0x55: {  	s24 =	simm.s32 $0x16400;
	[sflag:s20] =	ssyncadd.s32 $0xFFFFE000  }
0x56: {  	[spmem:s2] =	stream.indirect.scatter.add.f32 [tilespmem:s17], [sflag:$0x3], $0x80, s24, s16, $0xb8;
	[tilespmem:$0x1CC00] =	vst v63  }
0x57: {  	_ =	swait.ge [sflag:s12], $0x2000  }
0x58: {  	[sflag:s12] =	ssyncset.done $0x0  }
0x59: {  	s30 =	simm.s32 $0x13D00;
	[sflag:s12] =	ssyncadd.s32 $0xFFFFE000  }
0x5a: {  	[tilespmem:s17], [sflag:$0x1] =	stream.indirect.gather [hbm4b:s4+s16], $0x80, s30, s16, $0xb8;
	[tilespmem:$0x1CC00] =	vst v63  }
0x5b: {  	_ =	swait.ge [sflag:s21], $0x2000  }
0x5c: {  	[sflag:s21] =	ssyncset.done $0x0  }
0x5d: {  	s31 =	simm.s32 $0x16480;
	[sflag:s21] =	ssyncadd.s32 $0xFFFFE000  }
0x5e: {  	[spmem:s2] =	stream.indirect.scatter.add.f32 [tilespmem:s19], [sflag:$0x3], $0x80, s31, s16, $0xb8;
	[tilespmem:$0x1CC00] =	vst v63  }
0x5f: {  	_ =	swait.ge [sflag:s12], $0x2000  }
0x60: {  	[sflag:s12] =	ssyncset.done $0x0  }
0x61: {  	s25 =	simm.s32 $0x13D80;
	s24 =	simm.s32 $0x800;
	[sflag:s12] =	ssyncadd.s32 $0xFFFFE000  }
.LBB2_4:
0x62: {  	[tilespmem:s19], [sflag:$0x2] =	stream.indirect.gather [hbm4b:s4+s16], $0x80, s25, s16, $0xb8;
	[tilespmem:$0x1CC00] =	vst v63  }
0x63: {  	s25 =	smov.u32 s24  }
0x64: {  	p0 =	sne.s32 s24, $0x9C00;
	s24 =	sadd.s32 $0x400, s24;
	_ =	swait.ge [sflag:s20], $0x2000  }
0x65: {  	s25 =	sshra.s32 s25, $0x2;
	[sflag:s20] =	ssyncset.done $0x0  }
0x66: {  	s26 =	sadd.s32 $0x16300, s25;
	[sflag:s20] =	ssyncadd.s32 $0xFFFFE000  }
0x67: {  	[spmem:s2] =	stream.indirect.scatter.add.f32 [tilespmem:s17], [sflag:$0x3], $0x80, s26, s16, $0xb8;
	[tilespmem:$0x1CC00] =	vst v63  }
0x68: {  	_ =	swait.ge [sflag:s12], $0x2000  }
0x69: {  	[sflag:s12] =	ssyncset.done $0x0  }
0x6a: {  	s26 =	sadd.s32 $0x13C00, s25;
	[sflag:s12] =	ssyncadd.s32 $0xFFFFE000  }
0x6b: {  	[tilespmem:s17], [sflag:$0x1] =	stream.indirect.gather [hbm4b:s4+s16], $0x80, s26, s16, $0xb8;
	[tilespmem:$0x1CC00] =	vst v63  }
0x6c: {  	_ =	swait.ge [sflag:s21], $0x2000  }
0x6d: {  	[sflag:s21] =	ssyncset.done $0x0  }
.Ltmp1:
0x6e: {  	s26 =	sadd.s32 $0x16380, s25;
	[sflag:s21] =	ssyncadd.s32 $0xFFFFE000;
	(pc) =	sbr.rel @p0 .LBB2_4-.Ltmp1, $4  }
0x6f: {  	[spmem:s2] =	stream.indirect.scatter.add.f32 [tilespmem:s19], [sflag:$0x3], $0x80, s26, s16, $0xb8;
	[tilespmem:$0x1CC00] =	vst v63  }
0x70: {  	_ =	swait.ge [sflag:s12], $0x2000  }
0x71: {  	[sflag:s12] =	ssyncset.done $0x0  }
0x72: {  	s25 =	sadd.s32 $0x13C80, s25;
	[sflag:s12] =	ssyncadd.s32 $0xFFFFE000  }
0x73: {  	[tilespmem:s19], [sflag:$0x2] =	stream.indirect.gather [hbm4b:s4+s16], $0x80, s25, s16, $0xb8;
	[tilespmem:$0x1CC00] =	vst v63  }
0x74: {  	_ =	swait.ge [sflag:s20], $0x2000  }
0x75: {  	[sflag:s20] =	ssyncset.done $0x0  }
0x76: {  	[sflag:s20] =	ssyncadd.s32 $0xFFFFE000  }
0x77: {  	[spmem:s2] =	stream.indirect.scatter.add.f32 [tilespmem:s17], [sflag:$0x3], $0x80, s22, s16, $0xb8;
	[tilespmem:$0x1CC00] =	vst v63  }
0x78: {  	_ =	swait.ge [sflag:s12], $0x2000  }
0x79: {  	[sflag:s12] =	ssyncset.done $0x0  }
0x7a: {  	[sflag:s12] =	ssyncadd.s32 $0xFFFFE000  }
0x7b: {  	_ =	swait.ge [sflag:s21], $0x2000  }
0x7c: {  	[sflag:s21] =	ssyncset.done $0x0  }
0x7d: {  	[sflag:s21] =	ssyncadd.s32 $0xFFFFE000  }
0x7e: {  	[spmem:s2] =	stream.indirect.scatter.add.f32 [tilespmem:s19], [sflag:$0x3], $0x80, s23, s16, $0xb8;
	[tilespmem:$0x1CC00] =	vst v63  }
0x7f: {  	_ =	swait.ge [sflag:s12], $0x2000  }
0x80: {  	s3 =	sadd.s32 $0x1, s3;
	[sflag:s12] =	ssyncset.done $0x0  }
0x81: {  	p0 =	sne.s32 s3, s10;
	[sflag:s12] =	ssyncadd.s32 $0xFFFFE000  }
.Ltmp2:
0x82: {  	[bflag:$0x0] =	sbarrier.arrive $0xFFFF;
	(pc) =	sbr.rel @p0 .LBB2_1-.Ltmp2, $4  }
0x83: {  	[hbm:s9], [sflag:s6] =	dma.local [spmem:s11], $0x2780  }
0x84: {  	_ =	swait.ge [sflag:s12], $0x2780  }
0x85: {  	[sflag:s12] =	ssyncset.done $0x0  }
0x86: {  	[sflag:s12] =	ssyncadd.s32 $0xFFFFD880  }
0x87: {  	_ =	sfence.sel $0x180000  }
0x88: {  	[bflag:$0x0] =	sbarrier.arrive $0xFFFF  }
0x89: {  	p0 =	sne.s32 s0, $0x0;
	_ =	strace $0x9000004D  }
0x8a: {  	s0 =	sadd.s32 @!p0 $0x100000, s1;
	[bflag:$0x2] =	sbarrier.arrive $0xFFFF  }
0x8b: {  	[sflag:s0] =	ssyncadd.tile.s32 @!p0 $0x1;
	_ =	shalt  }
.Lfunc_end2:
_tile_overlayer_lowered:
.L_overlay_start_2:
0x8c: {  	(tag) =	ssettag $0x2  }
0x8d: {  	s0 =	rddreg [dreg:$0x0];
	s2 =	stileid.u32  }
0x8e: {  	s1 =	rddreg [dreg:$0x1];
	p0 =	sne.s32 s2, $0x0  }
0x8f: {  	s3 =	rddreg [dreg:$0x2];
	[bflag:$0x3] =	sbarrier.arrive $0xFFFF;
	s2 =	simm.s32 @!p0 $0x1C03  }
0x90: {  	[timem:s3], [sflag:s2] =	dma.local @!p0 [hbm:s0], s1  }
0x91: {  	s0 =	simm.s32 @!p0 $0x3  }
0x92: {  	_ =	swait.ge @!p0 [sflag:s0], s1  }
0x93: {  	s1 =	ssub.s32 @!p0 $0x0, s1;
	[sflag:s0] =	ssyncset.done @!p0 $0x0  }
0x94: {  	[sflag:s0] =	ssyncadd.s32 @!p0 s1  }
0x95: {  	[bflag:$0x3] =	sbarrier.arrive $0xFFFF  }
0x96: {  	_ =	shalt  }

// kernel: kernel.8.cloned.1.call-start
scs
__scs_entry_jumppad:
0x0: {  	(pc) =	sbr.rel $0x88, $3  }
0x1: {  	(tag) =	ssettag $0x0;
	lr =	simm.s32 $0x1  }
0x2: {  	[smem:$0x3F9B] =	sst lr;
	_ =	strace $0xD0000000  }
0x3: {  	_ = 	snop  }
0x4: {  	_ = 	snop  }
0x5: {  	_ = 	snop  }
0x6: {  	_ = 	snop  }
0x7: {  	_ = 	snop  }
__scs_overlays_trampoline_lowered:
0x8: {  	[smem:$0x3FAA] =	sst s0  }
0x9: {  	[smem:$0x3FAB] =	sst s1  }
0xa: {  	[smem:$0x3FAC] =	sst s2  }
0xb: {  	[smem:$0x3FAD] =	sst s3  }
0xc: {  	[smem:$0x3FAE] =	sst s4  }
0xd: {  	[smem:$0x3FAF] =	sst s5  }
0xe: {  	[smem:$0x3FB0] =	sst s6  }
0xf: {  	[smem:$0x3FB1] =	sst s7  }
0x10: {  	[smem:$0x3FB2] =	sst s8  }
0x11: {  	[smem:$0x3FB3] =	sst s9;
	s0 =	simm.s32 @!p0 $0x0  }
0x12: {  	s1 =	sld [smem:$0x3F99];
	s0 =	simm.s32 @p0 $0x1  }
0x13: {  	[smem:$0x3FB4] =	sst s0;
	s0 =	simm.s32 @!p1 $0x0  }
0x14: {  	s2 =	sld [smem:$0x3F98];
	s0 =	simm.s32 @p1 $0x1  }
0x15: {  	[smem:$0x3FB5] =	sst s0;
	s0 =	simm.s32 @!p2 $0x0  }
0x16: {  	s3 =	sld [smem:$0x3FDB];
	s0 =	simm.s32 @p2 $0x1  }
0x17: {  	s4 =	simm.s32 $0x1BF5;
	[smem:$0x3FB7] =	sst s0  }
0x18: {  	s0 =	sld [smem:$0x3F9A];
	_ =	swait.ge [sflag:s4], $0x0  }
0x19: {  	s7 =	sld [smem:$0x3F9B]  }
0x1a: {  	s8 =	sadd.s32 $0xFFFFE003, lr  }
0x1b: {  	s9 =	sadd.s32 $0xFFFFFEF7, lr;
	s5 =	simm.s32 $0xFFFFFFFF;
	p2 =	slt.u32 s8, $0xFFFFF086  }
0x1c: {  	p1 =	slt.u32 s9, $0xF7A;
	s5 =	simm.s32 @!p2 $0x0  }
0x1d: {  	s5 =	simm.s32 @p1 $0x1;
	p0 =	seq.s32 s7, s2  }
0x1e: {  	s7 =	smul.u32 @!p0 $0xF7A, s2;
	p2 =	seq.s32 @!p0 s5, $0x0  }
0x1f: {  	s9 =	smul.u32 $0xF7A, s1;
	s8 =	simm.s32 @!p0 $0x1BF5;
	p2 =	por !p2, p0  }
0x20: {  	[sflag:s8] =	ssyncset.s32 @!p0 $0xFFFFF086;
	s6 =	sadd.s32 @!p0 s3, s7;
	s7 =	simm.s32 @!p0 $0x108  }
0x21: {  	s3 =	sadd.s32 s3, s9;
	s6 =	sadd.s32 @!p0 $0x88, s6;
	s7 =	simm.s32 @p2 $0x1082  }
0x22: {  	[simem:s7], [sflag:s8] =	dma.local @!p0 [hbm:s6], $0xF7A  }
0x23: {  	s9 =	sor.u32 $0xD0000000, s2;
	s6 =	simm.s32 $0x108;
	_ =	swait.ge @!p0 [sflag:s8], $0x0  }
0x24: {  	s3 =	sadd.s32 $0x88, s3;
	s6 =	simm.s32 @!p1 $0x1082;
	[sflag:s4] =	ssyncset.s32 $0xFFFFF086  }
0x25: {  	[simem:s6], [sflag:s4] =	dma.local [hbm:s3], $0xF7A  }
0x26: {  	[smem:$0x3F9B] =	sst s1;
	(tag) =	ssettag s2;
	_ =	strace s9  }
0x27: {  	s1 =	sld [smem:$0x3FAB]  }
0x28: {  	s2 =	sld [smem:$0x3FAC]  }
0x29: {  	s4 =	sld [smem:$0x3FAE]  }
0x2a: {  	p0 =	seq.s32 s5, $0x0;
	s5 =	sld [smem:$0x3FAF]  }
0x2b: {  	s6 =	sld [smem:$0x3FB0]  }
0x2c: {  	s7 =	sld [smem:$0x3FB1]  }
0x2d: {  	s3 =	simm.s32 $0x108;
	s8 =	sld [smem:$0x3FB2]  }
0x2e: {  	s3 =	simm.s32 @!p0 $0x1082;
	s9 =	sld [smem:$0x3FB3]  }
0x2f: {  	lr =	sadd.s32 s0, s3;
	s0 =	sld [smem:$0x3FAA]  }
0x30: {  	s3 =	sld [smem:$0x3FAD]  }
0x31: {  	[smem:$0x3FB6] =	sst s10  }
0x32: {  	s10 =	sld [smem:$0x3FB4];
	_ =	sdelay $0x3  }
0x33: {  	p0 =	seq.s32 s10, $0x1;
	s10 =	sld [smem:$0x3FB6];
	_ =	sdelay $0x3  }
0x34: {  	[smem:$0x3FB6] =	sst s10  }
0x35: {  	s10 =	sld [smem:$0x3FB5];
	_ =	sdelay $0x3  }
0x36: {  	p1 =	seq.s32 s10, $0x1;
	s10 =	sld [smem:$0x3FB6];
	_ =	sdelay $0x3  }
0x37: {  	[smem:$0x3FB6] =	sst s10  }
0x38: {  	s10 =	sld [smem:$0x3FB7]  }
0x39: {  	_ = 	snop;
	(pc) =	sbr.ind lr, $3  }
0x3a: {  	_ = 	snop  }
0x3b: {  	_ = 	snop  }
0x3c: {  	p2 =	seq.s32 s10, $0x1;
	s10 =	sld [smem:$0x3FB6]  }
0x3d: {  	_ =	shalt  }
0x3e: {  	_ =	shalt  }
0x3f: {  	_ =	shalt  }
0x40: {  	_ =	shalt  }
0x41: {  	_ =	shalt  }
0x42: {  	_ =	shalt  }
0x43: {  	_ =	shalt  }
0x44: {  	_ =	shalt  }
0x45: {  	_ =	shalt  }
0x46: {  	_ =	shalt  }
0x47: {  	_ =	shalt  }
0x48: {  	_ =	shalt  }
0x49: {  	_ =	shalt  }
0x4a: {  	_ =	shalt  }
0x4b: {  	_ =	shalt  }
0x4c: {  	_ =	shalt  }
0x4d: {  	_ =	shalt  }
0x4e: {  	_ =	shalt  }
0x4f: {  	_ =	shalt  }
0x50: {  	_ =	shalt  }
0x51: {  	_ =	shalt  }
0x52: {  	_ =	shalt  }
0x53: {  	_ =	shalt  }
0x54: {  	_ =	shalt  }
0x55: {  	_ =	shalt  }
0x56: {  	_ =	shalt  }
0x57: {  	_ =	shalt  }
0x58: {  	_ =	shalt  }
0x59: {  	_ =	shalt  }
0x5a: {  	_ =	shalt  }
0x5b: {  	_ =	shalt  }
0x5c: {  	_ =	shalt  }
0x5d: {  	_ =	shalt  }
0x5e: {  	_ =	shalt  }
0x5f: {  	_ =	shalt  }
0x60: {  	_ =	shalt  }
0x61: {  	_ =	shalt  }
0x62: {  	_ =	shalt  }
0x63: {  	_ =	shalt  }
0x64: {  	_ =	shalt  }
0x65: {  	_ =	shalt  }
0x66: {  	_ =	shalt  }
0x67: {  	_ =	shalt  }
0x68: {  	_ =	shalt  }
0x69: {  	_ =	shalt  }
0x6a: {  	_ =	shalt  }
0x6b: {  	_ =	shalt  }
0x6c: {  	_ =	shalt  }
0x6d: {  	_ =	shalt  }
0x6e: {  	_ =	shalt  }
0x6f: {  	_ =	shalt  }
0x70: {  	_ =	shalt  }
0x71: {  	_ =	shalt  }
0x72: {  	_ =	shalt  }
0x73: {  	_ =	shalt  }
0x74: {  	_ =	shalt  }
0x75: {  	_ =	shalt  }
0x76: {  	_ =	shalt  }
0x77: {  	_ =	shalt  }
0x78: {  	_ =	shalt  }
0x79: {  	_ =	shalt  }
0x7a: {  	_ =	shalt  }
0x7b: {  	_ =	shalt  }
0x7c: {  	_ =	shalt  }
0x7d: {  	_ =	shalt  }
0x7e: {  	_ =	shalt  }
0x7f: {  	_ =	shalt  }
0x80: {  	_ =	shalt  }
0x81: {  	_ =	shalt  }
0x82: {  	_ =	shalt  }
0x83: {  	_ =	shalt  }
0x84: {  	_ =	shalt  }
0x85: {  	_ =	shalt  }
0x86: {  	_ =	shalt  }
0x87: {  	_ =	shalt  }
.Lfunc_end0:
.L_simem_size_0:
called_computation_lowered:
.L_overlay_start_0:
0x88: {  	s2 =	sld [smem:$0x3FD9]  }
0x89: {  	s3 =	sld [smem:$0x3FFE];
	_ =	sdelay $0x1  }
0x8a: {  	s1 =	srdreg.scid  }
0x8b: {  	s0 =	sand.u32 $0x1, s1  }
0x8c: {  	s17 =	sshll.u32 s0, $0xA;
	s2 =	sadd.s32 s3, s2  }
0x8d: {  	s2 =	sadd.s32 s2, s17  }
0x8e: {  	[smem:$0x3FC2] =	sst s2  }
0x8f: {  	_ = 	snop  }
0x90: {  	s2 =	sld [smem:$0x3FD0];
	(tm) =	ssettm $0x1  }
0x91: {  	s18 =	sld [smem:$0x3FFB];
	_ =	sdelay $0x3  }
0x92: {  	_ =	strace s18  }
0x93: {  	s3 =	sld [smem:$0x3FFC];
	_ =	sdelay $0x3  }
0x94: {  	_ =	strace s3  }
0x95: {  	s3 =	sld [smem:$0x3FFD];
	_ =	sdelay $0x3  }
0x96: {  	_ =	strace s3  }
0x97: {  	_ =	strace $0x8FFFFFFF  }
0x98: {  	s19 =	sld [smem:$0x3FDB];
	_ =	sdelay $0x1  }
0x99: {  	s4 =	simm.s32 $_scs_section_size  }
0x9a: {  	s5 =	simm.s32 $_size__tile_overlayer_lowered;
	s6 =	simm.s32 $_tile_overlayer_lowered  }
0x9b: {  	s22 =	simm.s32 $0x1BFF;
	s21 =	sshll.u32 s6, $0x1;
	s3 =	sadd.s32 s4, s19  }
0x9c: {  	s7 =	simm.s32 $0x0;
	s20 =	sshll.u32 s5, $0x1;
	s5 =	sadd.s32 s21, s3  }
0x9d: {  	[timem:s7], [sflag:s22] =	dma.local [hbm:s5], s20  }
0x9e: {  	_ =	swait.ge [sflag:s22], s20  }
0x9f: {  	s4 =	ssub.s32 $0x0, s20;
	[sflag:s22] =	ssyncset.done $0x0  }
0xa0: {  	[sflag:s22] =	ssyncadd.s32 s4;
	_ =	sdelay $0x1  }
0xa1: {  	s23 =	simm.s32 $0x1B8B  }
0xa2: {  	_ =	swait.ge [sflag:s23], $0x1  }
0xa3: {  	[sflag:s23] =	ssyncset.done $0x0  }
0xa4: {  	s25 =	simm.s32 $0x1B8E;
	s24 =	sld [smem:$0x3FFE];
	[sflag:s23] =	ssyncadd.s32 $0xFFFFFFFF  }
0xa5: {  	s26 =	simm.s32 $execute0_lowered;
	[smem:$0x3FD2] =	sst s25  }
0xa6: {  	s5 =	sshll.u32 s26, $0x1;
	_ =	strace $0x80000046;
	[dreg:$0x1] =	wrdreg $0xFFFFFFFF  }
0xa7: {  	s28 =	simm.s32 $_size_execute0_lowered;
	s3 =	sadd.s32 s3, s5;
	[dreg:$0x0] =	wrdreg $0x0  }
0xa8: {  	s5 =	sshll.u32 s28, $0x1;
	[dreg:$0x2] =	wrdreg s3  }
0xa9: {  	[dreg:$0x3] =	wrdreg s5  }
0xaa: {  	[dreg:$0x4] =	wrdreg $0xC0  }
0xab: {  	_ =	task [dreg:s7], $0x5FFFF  }
0xac: {  	[dreg:$0x1] =	wrdreg $0xFFFFFFFF  }
0xad: {  	[dreg:$0x0] =	wrdreg $0x60  }
0xae: {  	[dreg:$0x2] =	wrdreg s24  }
0xaf: {  	[dreg:$0x3] =	wrdreg s2  }
0xb0: {  	[dreg:$0x4] =	wrdreg $0x0  }
0xb1: {  	[dreg:$0x5] =	wrdreg $0x9  }
0xb2: {  	_ =	task.clear_ibuf [dreg:s7], $0x6FFFF;
	_ =	strace $0x90000046  }
0xb3: {  	s29 =	simm.s32 $0x9;
	_ =	strace $0x80000048  }
0xb4: {  	_ =	swait.ge [sflag:s29], $0x1  }
0xb5: {  	[sflag:s29] =	ssyncadd.s32 $0xFFFFFFFF  }
0xb6: {  	_ =	strace $0x90000048  }
0xb7: {  	_ =	sfence  }
0xb8: {  	s30 =	sld [smem:$0x0];
	_ =	sdelay $0x2  }
0xb9: {  	s31 =	sshll.u32 s1, $0xD;
	s1 =	sshrl.u32 s1, $0x2  }
0xba: {  	s3 =	sand.u32 $0x4000, s31;
	s1 =	sadd.s32 s1, s30  }
0xbb: {  	s0 =	sor.u32 s3, s0;
	s1 =	sshll.u32 s1, $0x11  }
0xbc: {  	s0 =	sor.u32 s1, s0  }
0xbd: {  	s0 =	sadd.s32 $0x8F2B, s0  }
0xbe: {  	[sflag:s0] =	ssyncadd.remote.s32 $0x1  }
0xbf: {  	_ =	sfence.sel $0xFFFF  }
0xc0: {  	[dreg:$0x0] =	wrdreg $0xFFFFFFFF;
	(pc) =	sbr.abs _section_cstart, $3  }
0xc1: {  	[dreg:$0x1] =	wrdreg $0xFFFFFFFF  }
0xc2: {  	_ =	task.clear_ibuf [dreg:s7], $0x2FFFF;
	_ =	strace $0x9FFFFFFF  }
0xc3: {  	(tm) =	ssettm $0x7FFFFFFF  }
tec
execute0_lowered:
.L_overlay_start_1:
0x0: {  	(tag) =	ssettag $0x1  }
0x1: {  	s5 =	rddreg [dreg:$0x0]  }
0x2: {  	s2 =	rddreg [dreg:$0x1]  }
0x3: {  	s3 =	rddreg [dreg:$0x2];
	s1 =	stileid.u32  }
0x4: {  	s4 =	srdreg.scid;
	s0 =	rddreg [dreg:$0x3];
	s13 =	simm.s32 $0x18C00  }
0x5: {  	s14 =	simm.s32 $0x40;
	s15 =	simm.s32 $0x0;
	s6 =	smul.u32 $0x13C00, s1  }
0x6: {  	s7 =	sand.u32 $0x1, s4;
	s4 =	simm.s32 $0x0;
	s26 =	smul.u32 $0x4F000, s1  }
0x7: {  	s31 =	sshll.u32 s1, $0x6;
	s8 =	smul.u32 $0x13C000, s7;
	s9 =	sshll.u32 s7, $0x4  }
0x8: {  	[smem:$0x7FF] =	sst s4;
	s7 =	ssub.s32 $0x2, s7;
	s9 =	sor.u32 s1, s9  }
0x9: {  	s10 =	sshrl.u32 s6, $0x3;
	_ =	strace $0x80000047;
	s28 =	sshrl.u32 s7, $0x1  }
0xa: {  	s30 =	sshrl.u32 s26, $0x2;
	s6 =	sadd.s32 s6, s8;
	s24 =	smul.u32 $0xA000, s9  }
0xb: {  	s25 =	sadd.s32 s10, s5;
	s29 =	ssub.s32 s7, s28;
	s12 =	sadd.s32 s30, s3  }
0xc: {  	s9 =	simm.s32 $0x13C00;
	s10 =	simm.s32 $0x1;
	s6 =	sshrl.u32 s6, $0x3  }
0xd: {  	s12 =	sshrl.u32 s12, $0x3;
	s8 =	sshrl.u32 s24, $0x3;
	s11 =	sadd.s32 s6, s5  }
0xe: {  	s6 =	sadd.s32 $0x2A200, s25;
	s5 =	sadd.s32 s5, s8;
	s7 =	sadd.s32 $0x51A00, s11  }
0xf: {  	s8 =	smax.u32 s29, $0x1;
	s11 =	sor.u32 $0x1C01, s31;
	s5 =	sadd.s32 $0x2C00, s5  }
.LBB2_1:
0x10: {  	[tilespmem:s9], [sflag:$0x1] =	stream.linear.gather [hbm4b:s5+s4], $0x5000, $0x38;
	[tilespmem:$0x1AC00] =	vst v63  }
0x11: {  	_ =	swait.ge [sflag:s10], $0x5000  }
0x12: {  	[sflag:s10] =	ssyncset.done $0x0  }
0x13: {  	[sflag:s10] =	ssyncadd.s32 $0xFFFFB000  }
0x14: {  	[spmem:s12], [sflag:s11] =	dma.local [hbm:s6], $0x2780  }
0x15: {  	_ =	swait.ge [sflag:s10], $0x2780  }
0x16: {  	[sflag:s10] =	ssyncset.done $0x0  }
0x17: {  	[sflag:s10] =	ssyncadd.s32 $0xFFFFD880  }
0x18: {  	[tilespmem:s13], [sflag:$0x1] =	stream.linear.gather [hbm4b:s2+s4], $0x2000, $0x38;
	[tilespmem:$0x1AC00] =	vst v63  }
0x19: {  	_ =	swait.ge [sflag:s10], $0x2000  }
0x1a: {  	[sflag:s10] =	ssyncset.done $0x0  }
0x1b: {  	[sflag:s10] =	ssyncadd.s32 $0xFFFFE000  }
0x1c: {  	s16 =	simm.s32 $0x13C00;
	[bflag:$0x0] =	sbarrier.arrive $0xFFFF  }
0x1d: {  	[spmem:s3] =	stream.indirect.scatter.add.f32 [tilespmem:s13], [sflag:$0x1], $0x80, s16, s14, $0xb8;
	[tilespmem:$0x1AC00] =	vst v63  }
0x1e: {  	s16 =	simm.s32 $0x200;
	_ =	swait.ge [sflag:s10], $0x2000  }
.LBB2_2:
0x1f: {  	s17 =	sshra.s32 s16, $0x2;
	[sflag:s10] =	ssyncset.done $0x0;
	p0 =	sne.s32 s16, $0x13E00  }
.Ltmp0:
0x20: {  	s17 =	sadd.s32 $0x13C00, s17;
	[sflag:s10] =	ssyncadd.s32 $0xFFFFE000;
	(pc) =	sbr.rel @p0 .LBB2_2-.Ltmp0, $3  }
0x21: {  	[spmem:s3] =	stream.indirect.scatter.add.f32 [tilespmem:s13], [sflag:$0x1], $0x80, s17, s14, $0xb8;
	[tilespmem:$0x1AC00] =	vst v63  }
0x22: {  	s16 =	sadd.s32 $0x200, s16;
	_ =	sdelay $0x1  }
0x23: {  	_ =	swait.ge [sflag:s10], $0x2000  }
0x24: {  	[sflag:s10] =	ssyncset.done $0x0;
	s15 =	sadd.s32 $0x1, s15  }
0x25: {  	[sflag:s10] =	ssyncadd.s32 $0xFFFFE000;
	p0 =	sne.s32 s15, s8  }
.Ltmp1:
0x26: {  	[bflag:$0x0] =	sbarrier.arrive $0xFFFF;
	(pc) =	sbr.rel @p0 .LBB2_1-.Ltmp1, $4  }
0x27: {  	[hbm:s7], [sflag:s11] =	dma.local [spmem:s12], $0x2780  }
0x28: {  	_ =	swait.ge [sflag:s10], $0x2780  }
0x29: {  	[sflag:s10] =	ssyncset.done $0x0  }
0x2a: {  	[sflag:s10] =	ssyncadd.s32 $0xFFFFD880  }
0x2b: {  	_ =	sfence.sel $0x180000  }
0x2c: {  	[bflag:$0x0] =	sbarrier.arrive $0xFFFF  }
0x2d: {  	p0 =	sne.s32 s1, $0x0;
	_ =	strace $0x90000047  }
0x2e: {  	s0 =	sadd.s32 @!p0 $0x100000, s0;
	[bflag:$0x2] =	sbarrier.arrive $0xFFFF  }
0x2f: {  	[sflag:s0] =	ssyncadd.tile.s32 @!p0 $0x1;
	_ =	shalt  }
.Lfunc_end2:
_tile_overlayer_lowered:
.L_overlay_start_2:
0x30: {  	(tag) =	ssettag $0x2  }
0x31: {  	s0 =	rddreg [dreg:$0x0];
	s2 =	stileid.u32  }
0x32: {  	s1 =	rddreg [dreg:$0x1];
	p0 =	sne.s32 s2, $0x0  }
0x33: {  	s3 =	rddreg [dreg:$0x2];
	[bflag:$0x3] =	sbarrier.arrive $0xFFFF;
	s2 =	simm.s32 @!p0 $0x1C01  }
0x34: {  	[timem:s3], [sflag:s2] =	dma.local @!p0 [hbm:s0], s1  }
0x35: {  	s0 =	simm.s32 @!p0 $0x1  }
0x36: {  	_ =	swait.ge @!p0 [sflag:s0], s1  }
0x37: {  	s1 =	ssub.s32 @!p0 $0x0, s1;
	[sflag:s0] =	ssyncset.done @!p0 $0x0  }
0x38: {  	[sflag:s0] =	ssyncadd.s32 @!p0 s1  }
0x39: {  	[bflag:$0x3] =	sbarrier.arrive $0xFFFF  }
0x3a: {  	_ =	shalt  }

</sc_bundles>
